<compile_context>
chip_gen: v7x
topology: tpu7x:2x2x1
jax: 0.10.2.dev20260603
libtpu: 0.0.44.dev20260713+nightly
codegen_flags: <defaults>
</compile_context>

<pallas_src>
import math

import jax
import jax.numpy as jnp
import numpy as np
from jax import lax
from jax.experimental import pallas as pl
from jax.experimental.pallas import tpu as pltpu
from jax.experimental.pallas import tpu_sc as plsc

STD2 = 0.1
VAR2 = STD2 * STD2
LOG_VAR2 = math.log(VAR2)
IN_DIM = 2048
CTX_DIM = 1024
HID = 256
MAX_AGENT = 6
N_L = 64
N_Q = 16384

QBLK = 2048

_LOGFACT = [float(math.lgamma(k + 1)) for k in range(MAX_AGENT + 1)]



def _rotl32(x, d):
    return ((x << np.uint32(d)) | (x >> np.uint32(32 - d))).astype(np.uint32)


def _threefry2x32(k0, k1, x0, x1):
    rot = [[13, 15, 26, 6], [17, 29, 16, 24]]
    ks = [np.uint32(k0), np.uint32(k1),
          np.uint32(np.uint32(k0) ^ np.uint32(k1) ^ np.uint32(0x1BD11BDA))]
    x0 = (x0 + ks[0]).astype(np.uint32)
    x1 = (x1 + ks[1]).astype(np.uint32)
    for i in range(5):
        for d in rot[i % 2]:
            x0 = (x0 + x1).astype(np.uint32)
            x1 = _rotl32(x1, d)
            x1 = (x1 ^ x0).astype(np.uint32)
        x0 = (x0 + ks[(i + 1) % 3]).astype(np.uint32)
        x1 = (x1 + ks[(i + 2) % 3] + np.uint32(i + 1)).astype(np.uint32)
    return x0, x1


def _random_bits(k0, k1, n):
    i = np.arange(n, dtype=np.uint64)
    o0, o1 = _threefry2x32(k0, k1, (i >> np.uint64(32)).astype(np.uint32),
                           (i & np.uint64(0xFFFFFFFF)).astype(np.uint32))
    return o0 ^ o1


def _bits_to_unit_float(bits):
    return (((bits >> np.uint32(9)) | np.uint32(0x3F800000)).view(np.float32)
            - np.float32(1.0))


def _erfinv_f32(x):
    x = x.astype(np.float32)
    w = (-np.log((np.float32(1.0) - x) * (np.float32(1.0) + x))
         ).astype(np.float32)
    w1 = (w - np.float32(2.5)).astype(np.float32)
    p = np.full_like(x, np.float32(2.81022636e-08))
    for c in [3.43273939e-07, -3.5233877e-06, -4.39150654e-06, 0.00021858087,
              -0.00125372503, -0.00417768164, 0.246640727, 1.50140941]:
        p = (p * w1 + np.float32(c)).astype(np.float32)
    w2 = (np.sqrt(w).astype(np.float32) - np.float32(3.0)).astype(np.float32)
    q = np.full_like(x, np.float32(-0.000200214257))
    for c in [0.000100950558, 0.00134934322, -0.00367342844, 0.00573950773,
              -0.0076224613, 0.00943887047, 1.00167406, 2.83297682]:
        q = (q * w2 + np.float32(c)).astype(np.float32)
    return np.where(w < np.float32(5.0), (p * x).astype(np.float32),
                    (q * x).astype(np.float32)).astype(np.float32)


def _host_normal(seed, n):
    f = _bits_to_unit_float(_random_bits(0, seed, n))
    lo = np.float32(np.nextafter(np.float32(-1), np.float32(0)))
    hi = np.float32(1.0)
    u = np.maximum(lo, (f * (hi - lo) + lo).astype(np.float32))
    return (np.float32(np.sqrt(np.float32(2.0), dtype=np.float32))
            * _erfinv_f32(u)).astype(np.float32)


_EPS = _host_normal(1234, N_L * HID).reshape(N_L, HID)
_THRESH = np.stack(
    [_bits_to_unit_float(
        _random_bits(*(int(v[0]) for v in _threefry2x32(
            0, 777, np.array([0], np.uint32), np.array([i], np.uint32))),
            N_Q))
     for i in range(1, MAX_AGENT + 1)], axis=1)


def _vae_kernel(llms_ref, fc1w_ref, fc1b_ref, fc21w_ref, fc21b_ref,
                fc22w_ref, fc22b_ref, fc3w_ref, fc3b_ref, fc4w_ref,
                fc4b_ref, eps_ref, zt_ref, loss_ref):
    llms = llms_ref[...]
    h = jax.nn.relu(
        jnp.dot(llms, fc1w_ref[...], preferred_element_type=jnp.float32)
        + fc1b_ref[...])
    mu = jnp.dot(h, fc21w_ref[...], preferred_element_type=jnp.float32) \
        + fc21b_ref[...]
    log_var = jnp.dot(h, fc22w_ref[...], preferred_element_type=jnp.float32) \
        + fc22b_ref[...]
    std = jnp.exp(0.5 * log_var) * STD2
    z = mu + eps_ref[...] * std
    h2 = jax.nn.relu(
        jnp.dot(z, fc3w_ref[...], preferred_element_type=jnp.float32)
        + fc3b_ref[...])
    x_hat = jnp.dot(h2, fc4w_ref[...], preferred_element_type=jnp.float32) \
        + fc4b_ref[...]
    mse = jnp.mean((x_hat - llms) ** 2)
    kld = -0.5 * jnp.mean(1.0 - LOG_VAR2 + log_var
                          - (mu ** 2 + jnp.exp(log_var)) / VAR2)
    loss_ref[...] = (mse + kld).reshape(1, 1)
    norm = jnp.sqrt(jnp.sum(z * z, axis=1, keepdims=True))
    zn = z / jnp.maximum(norm, 1e-12)
    zt_ref[...] = zn.T


def _route_kernel(ctx_ref, ctxw_ref, ctxb_ref,
                  llms_ref, fc1w_ref, fc1b_ref, fc21w_ref, fc21b_ref,
                  fc22w_ref, fc22b_ref, fc3w_ref, fc3b_ref, fc4w_ref,
                  fc4b_ref, eps_ref, cu_ref, logp_ref, loss_ref, zt_ref):
    @pl.when(pl.program_id(0) == 0)
    def _():
        _vae_kernel(llms_ref, fc1w_ref, fc1b_ref, fc21w_ref, fc21b_ref,
                    fc22w_ref, fc22b_ref, fc3w_ref, fc3b_ref, fc4w_ref,
                    fc4b_ref, eps_ref, zt_ref, loss_ref)

    ce = jnp.dot(ctx_ref[...], ctxw_ref[...],
                 preferred_element_type=jnp.float32) + ctxb_ref[...]
    norm = jnp.sqrt(jnp.sum(ce * ce, axis=1, keepdims=True))
    ce = ce / jnp.maximum(norm, 1e-12)
    s = jnp.dot(ce, zt_ref[...], preferred_element_type=jnp.float32)
    m = jnp.max(s, axis=1, keepdims=True)
    e = jnp.exp(s - m)
    p = e / jnp.sum(e, axis=1, keepdims=True)
    row = jax.lax.broadcasted_iota(jnp.int32, (N_L, N_L), 0)
    col = jax.lax.broadcasted_iota(jnp.int32, (N_L, N_L), 1)
    tri = (row <= col).astype(jnp.float32)
    c = jax.lax.dot(p, tri, precision=jax.lax.Precision.HIGHEST)
    cu_ref[...] = c
    logp_ref[...] = jnp.log(p)



_NW = 32
_WQ = N_Q // _NW
_LGFACT_TAB = np.array(_LOGFACT + [0.0], dtype=np.float32)
_LOGM_TAB = np.array([0.0] + [math.log(max(m, 1)) for m in range(1, 7)]
                     + [0.0], dtype=np.float32)


def _sc_sample_kernel(cu_hbm, logp_hbm, thr_hbm, agent_hbm, lgf_hbm,
                      logm_hbm, sel_hbm, lp_hbm, cu_v, logp_v, thr_v,
                      agent_v, lgf_v, logm_v, sel_v, lp_v):
    wid = lax.axis_index("s") * 2 + lax.axis_index("c")
    base = wid * _WQ
    pltpu.sync_copy(cu_hbm.at[pl.ds(base * N_L, _WQ * N_L)], cu_v)
    pltpu.sync_copy(logp_hbm.at[pl.ds(base * N_L, _WQ * N_L)], logp_v)
    for i in range(MAX_AGENT):
        pltpu.sync_copy(thr_hbm.at[pl.ds(i * N_Q + base, _WQ)],
                        thr_v.at[pl.ds(i * _WQ, _WQ)])
    pltpu.sync_copy(agent_hbm.at[pl.ds(base, _WQ)], agent_v)
    pltpu.sync_copy(lgf_hbm, lgf_v)
    pltpu.sync_copy(logm_hbm, logm_v)

    lane = lax.iota(jnp.int32, 16)

    def one_group(qoff):
        a = agent_v[pl.ds(qoff, 16)]
        row0 = (qoff + lane) * N_L
        cu63 = plsc.load_gather(cu_v, [row0 + (N_L - 1)])
        lp = plsc.load_gather(lgf_v, [a])
        sels = []
        ams = []
        for i in range(MAX_AGENT):
            r = thr_v[pl.ds(i * _WQ + qoff, 16)]
            all64 = cu63 <= r
            pos = jnp.zeros((16,), jnp.int32)
            for step in (32, 16, 8, 4, 2, 1):
                cv = plsc.load_gather(cu_v, [row0 + pos + (step - 1)])
                pos = pos + jnp.where(cv <= r, step, 0)
            sel = jnp.where(all64, 0, pos)
            am = (a >= (i + 1)).astype(jnp.int32)
            m = jnp.ones((16,), jnp.int32)
            for j in range(i):
                m = m + jnp.where(sels[j] == sel, ams[j], 0)
            lpg = plsc.load_gather(logp_v, [row0 + sel])
            lgm = plsc.load_gather(logm_v, [m])
            lp = lp + am.astype(jnp.float32) * (lpg - lgm)
            sel_v[pl.ds(i * _WQ + qoff, 16)] = sel
            sels.append(sel)
            ams.append(am)
        lp_v[pl.ds(qoff, 16)] = lp

    def group_body(g, _):
        one_group(g * 16)
        return 0

    lax.fori_loop(0, _WQ // 16, group_body, 0)

    for i in range(MAX_AGENT):
        pltpu.sync_copy(sel_v.at[pl.ds(i * _WQ, _WQ)],
                        sel_hbm.at[pl.ds(i * N_Q + base, _WQ)])
    pltpu.sync_copy(lp_v, lp_hbm.at[pl.ds(base, _WQ)])


def _sc_sample(cu, logp, thresh_t, agent):
    mesh = plsc.VectorSubcoreMesh(core_axis_name="c", subcore_axis_name="s")
    return pl.kernel(
        _sc_sample_kernel,
        mesh=mesh,
        compiler_params=pltpu.CompilerParams(needs_layout_passes=False),
        out_type=(
            jax.ShapeDtypeStruct((MAX_AGENT * N_Q,), jnp.int32),
            jax.ShapeDtypeStruct((N_Q,), jnp.float32),
        ),
        scratch_types=[
            pltpu.VMEM((_WQ * N_L,), jnp.float32),
            pltpu.VMEM((_WQ * N_L,), jnp.float32),
            pltpu.VMEM((MAX_AGENT * _WQ,), jnp.float32),
            pltpu.VMEM((_WQ,), jnp.int32),
            pltpu.VMEM((8,), jnp.float32),
            pltpu.VMEM((8,), jnp.float32),
            pltpu.VMEM((MAX_AGENT * _WQ,), jnp.int32),
            pltpu.VMEM((_WQ,), jnp.float32),
        ],
    )(cu, logp, thresh_t, agent,
      jnp.asarray(_LGFACT_TAB), jnp.asarray(_LOGM_TAB))


def kernel(llms, contexts, agent_num_int, agent_num_float, fc1_w, fc1_b,
           fc21_w, fc21_b, fc22_w, fc22_b, fc3_w, fc3_b, fc4_w, fc4_b,
           ctx_w, ctx_b):
    eps = jnp.asarray(_EPS)
    thresh_t = jnp.asarray(np.ascontiguousarray(_THRESH.T).reshape(-1))

    def _const(shape):
        return pl.BlockSpec(shape, lambda q: tuple(0 for _ in shape))

    grid = (N_Q // QBLK,)
    cu, logp, loss = pl.pallas_call(
        _route_kernel,
        grid=grid,
        in_specs=[
            pl.BlockSpec((QBLK, CTX_DIM), lambda q: (q, 0)),
            _const((CTX_DIM, HID)),
            _const((1, HID)),
            _const((N_L, IN_DIM)),
            _const((IN_DIM, HID)),
            _const((1, HID)),
            _const((HID, HID)),
            _const((1, HID)),
            _const((HID, HID)),
            _const((1, HID)),
            _const((HID, HID)),
            _const((1, HID)),
            _const((HID, IN_DIM)),
            _const((1, IN_DIM)),
            _const((N_L, HID)),
        ],
        out_specs=(
            pl.BlockSpec((QBLK, N_L), lambda q: (q, 0)),
            pl.BlockSpec((QBLK, N_L), lambda q: (q, 0)),
            _const((1, 1)),
        ),
        out_shape=(
            jax.ShapeDtypeStruct((N_Q, N_L), jnp.float32),
            jax.ShapeDtypeStruct((N_Q, N_L), jnp.float32),
            jax.ShapeDtypeStruct((1, 1), jnp.float32),
        ),
        scratch_shapes=[pltpu.VMEM((HID, N_L), jnp.float32)],
    )(contexts, ctx_w, ctx_b.reshape(1, HID),
      llms, fc1_w, fc1_b.reshape(1, HID), fc21_w, fc21_b.reshape(1, HID),
      fc22_w, fc22_b.reshape(1, HID), fc3_w, fc3_b.reshape(1, HID),
      fc4_w, fc4_b.reshape(1, IN_DIM), eps)

    sel_flat, lp_flat = _sc_sample(cu.reshape(-1), logp.reshape(-1),
                                   thresh_t, agent_num_int.reshape(-1))
    selected_llm_index = sel_flat.reshape(MAX_AGENT, N_Q)
    log_probs = lp_flat.reshape(N_Q, 1)
    vae_loss = loss.reshape(())
    return (selected_llm_index, log_probs, vae_loss)

# --- scband reference (transcript-rebuilt; emitter-appended) ---
"""Pipeline reference for scband-llmrouter-7773890806139 (READ-ONLY COPY).

The authoritative reference and input builder live on the scoring server;
editing this copy changes nothing except your own understanding.
"""

import math
import jax
import jax.numpy as jnp
import numpy as np
from jax.scipy.special import gammaln

STD2 = 0.1
VAR2 = STD2 * STD2
LOG_VAR2 = math.log(VAR2)
IN_DIM = 2048
CTX_DIM = 1024
HID = 256
TEMP = 1.0
MAX_AGENT = 6
N_L = 64
N_Q = 16384


def _l2norm(x):
    return x / jnp.maximum(jnp.linalg.norm(x, axis=1, keepdims=True), 1e-12)


def setup_inputs(seed: int = 0):
    key = jax.random.key(seed)
    ks = jax.random.split(key, 16)
    s = 0.02
    inp = {}
    inp['llms'] = jax.random.normal(ks[0], (N_L, IN_DIM), dtype=jnp.float32)
    inp['contexts'] = jax.random.normal(ks[1], (N_Q, CTX_DIM), dtype=jnp.float32)
    ai = jax.random.randint(ks[2], (N_Q, 1), 0, 7, dtype=jnp.int32)
    inp['agent_num_int'] = ai
    inp['agent_num_float'] = ai.astype(jnp.float32)
    inp['fc1_w'] = jax.random.normal(ks[3], (IN_DIM, HID), dtype=jnp.float32) * s
    inp['fc1_b'] = jnp.zeros((HID,), jnp.float32)
    inp['fc21_w'] = jax.random.normal(ks[4], (HID, HID), dtype=jnp.float32) * s
    inp['fc21_b'] = jnp.zeros((HID,), jnp.float32)
    inp['fc22_w'] = jax.random.normal(ks[5], (HID, HID), dtype=jnp.float32) * s
    inp['fc22_b'] = jnp.zeros((HID,), jnp.float32)
    inp['fc3_w'] = jax.random.normal(ks[6], (HID, HID), dtype=jnp.float32) * s
    inp['fc3_b'] = jnp.zeros((HID,), jnp.float32)
    inp['fc4_w'] = jax.random.normal(ks[7], (HID, IN_DIM), dtype=jnp.float32) * s
    inp['fc4_b'] = jnp.zeros((IN_DIM,), jnp.float32)
    inp['ctx_w'] = jax.random.normal(ks[8], (CTX_DIM, HID), dtype=jnp.float32) * s
    inp['ctx_b'] = jnp.zeros((HID,), jnp.float32)
    return inp


def reference(llms, contexts, agent_num_int, agent_num_float, fc1_w, fc1_b, fc21_w, fc21_b, fc22_w, fc22_b, fc3_w, fc3_b, fc4_w, fc4_b, ctx_w, ctx_b):
    # VAE encode
    h = jax.nn.relu(llms @ fc1_w + fc1_b)
    mu = h @ fc21_w + fc21_b
    log_var = h @ fc22_w + fc22_b
    # reparameterize (fixed PRNG key replaces torch.randn_like)
    std = jnp.exp(0.5 * log_var) * STD2
    eps = jax.random.normal(jax.random.key(1234), std.shape, dtype=jnp.float32)
    z = mu + eps * std
    # VAE decode
    h2 = jax.nn.relu(z @ fc3_w + fc3_b)
    x_hat = h2 @ fc4_w + fc4_b
    # vae_loss_function
    mse = jnp.mean((x_hat - llms) ** 2)
    kld = -0.5 * jnp.mean(1.0 - LOG_VAR2 + log_var - (mu ** 2 + jnp.exp(log_var)) / VAR2)
    vae_loss = mse + kld
    llm_embedding = _l2norm(z)
    contexts_embedding = _l2norm(contexts @ ctx_w + ctx_b)
    scores = jax.nn.softmax((contexts_embedding @ llm_embedding.T) / TEMP, axis=1)
    scores_cumsum = jnp.cumsum(scores, axis=1)
    nq = contexts.shape[0]
    nl = llms.shape[0]
    selected_llm = jnp.zeros((nq, nl), jnp.float32)
    sel_list = []
    for i in range(1, MAX_AGENT + 1):
        agent_num_mask = (agent_num_int >= i)[:, 0].astype(jnp.float32)
        random_num = jax.random.uniform(jax.random.fold_in(jax.random.key(777), i), agent_num_float.shape, dtype=jnp.float32)
        selected_index = jnp.argmax((scores_cumsum > random_num).astype(jnp.float32), axis=1)
        selected_llm = selected_llm.at[jnp.arange(nq), selected_index].add(agent_num_mask)
        sel_list.append(selected_index)
    selected_llm_index = jnp.stack(sel_list, axis=0)  # [MAX_AGENT, N_Q], dense stand-in for List[List[int]]
    log_probs = gammaln(agent_num_float + 1.0) - gammaln(selected_llm + 1.0).sum(axis=1, keepdims=True) + (selected_llm * jnp.log(scores)).sum(axis=1, keepdims=True)
    return (selected_llm_index, log_probs, vae_loss)

if __name__ == "__main__":
    import jax
    _d = setup_inputs()
    print(jax.jit(kernel)(*tuple(_d.values())))

</pallas_src>

<mosaic_0001>
#map = affine_map<(d0, d1) -> (0)>
module attributes {stable_mosaic.version = 14 : i64} {
  func.func @_sc_sample_kernel(%arg0: i32, %arg1: i32, %arg2: memref<1048576xf32, #tpu.memory_space<hbm>>, %arg3: memref<1048576xf32, #tpu.memory_space<hbm>>, %arg4: memref<98304xf32, #tpu.memory_space<hbm>>, %arg5: memref<16384xi32, #tpu.memory_space<hbm>>, %arg6: memref<8xf32, #tpu.memory_space<hbm>>, %arg7: memref<8xf32, #tpu.memory_space<hbm>>, %arg8: memref<98304xi32, #tpu.memory_space<hbm>>, %arg9: memref<16384xf32, #tpu.memory_space<hbm>>, %arg10: memref<32768xf32, #tpu.memory_space<vmem>>, %arg11: memref<32768xf32, #tpu.memory_space<vmem>>, %arg12: memref<3072xf32, #tpu.memory_space<vmem>>, %arg13: memref<512xi32, #tpu.memory_space<vmem>>, %arg14: memref<8xf32, #tpu.memory_space<vmem>>, %arg15: memref<8xf32, #tpu.memory_space<vmem>>, %arg16: memref<3072xi32, #tpu.memory_space<vmem>>, %arg17: memref<512xf32, #tpu.memory_space<vmem>>) attributes {dimension_semantics = [#tpu.dimension_semantics<core_parallel>, #tpu.dimension_semantics<subcore_parallel>], iteration_bounds = array<i64: 2, 16>, scalar_prefetch = 0 : i64, scratch_operands = 8 : i64, tpu.core_type = #tpu.core_type<sc_vector_subcore>, window_params = [{transform_indices = #map}, {transform_indices = #map}, {transform_indices = #map}, {transform_indices = #map}, {transform_indices = #map}, {transform_indices = #map}, {transform_indices = #map}, {transform_indices = #map}]} {
    %mul3A = arith.constant 2 : i32
    %mul3A_0 = arith.muli %arg1, %mul3A : i32
    %add3A = arith.addi %mul3A_0, %arg0 : i32
    %mul3A_1 = arith.constant 512 : i32
    %mul3A_2 = arith.muli %add3A, %mul3A_1 : i32
    %mul3A_3 = arith.constant 64 : i32
    %mul3A_4 = arith.muli %mul3A_2, %mul3A_3 : i32
    "tpu.region"() ({
      %run_scoped3A = tpu.sem_alloc : memref<!tpu.dma_semaphore, #tpu.memory_space<semaphore_mem>>
      %dma_start3A = tpu.memref_slice %arg2[%mul3A_4] : memref<1048576xf32, #tpu.memory_space<hbm>> -> memref<32768xf32, #tpu.memory_space<hbm>>
      %dma_start3A_37 = tpu.memref_slice %arg2[%mul3A_4] : memref<1048576xf32, #tpu.memory_space<hbm>> -> memref<32768xf32, #tpu.memory_space<hbm>>
      tpu.enqueue_dma source(%dma_start3A_37 : memref<32768xf32, #tpu.memory_space<hbm>>) target(%arg10 : memref<32768xf32, #tpu.memory_space<vmem>>) target_semaphore(%run_scoped3A : memref<!tpu.dma_semaphore, #tpu.memory_space<semaphore_mem>>)
      %dma_wait3A = tpu.memref_slice %arg2[%mul3A_4] : memref<1048576xf32, #tpu.memory_space<hbm>> -> memref<32768xf32, #tpu.memory_space<hbm>>
      %dma_wait3A_38 = tpu.memref_slice %arg2[%mul3A_4] : memref<1048576xf32, #tpu.memory_space<hbm>> -> memref<32768xf32, #tpu.memory_space<hbm>>
      tpu.wait_dma2 semaphore(%run_scoped3A : memref<!tpu.dma_semaphore, #tpu.memory_space<semaphore_mem>>) src(%dma_wait3A_38 : memref<32768xf32, #tpu.memory_space<hbm>>) dst(%arg10 : memref<32768xf32, #tpu.memory_space<vmem>>)
      tpu.yield
    }) : () -> ()
    %mul3A_5 = arith.constant 64 : i32
    %mul3A_6 = arith.muli %mul3A_2, %mul3A_5 : i32
    "tpu.region"() ({
      %run_scoped3A = tpu.sem_alloc : memref<!tpu.dma_semaphore, #tpu.memory_space<semaphore_mem>>
      %dma_start3A = tpu.memref_slice %arg3[%mul3A_6] : memref<1048576xf32, #tpu.memory_space<hbm>> -> memref<32768xf32, #tpu.memory_space<hbm>>
      %dma_start3A_37 = tpu.memref_slice %arg3[%mul3A_6] : memref<1048576xf32, #tpu.memory_space<hbm>> -> memref<32768xf32, #tpu.memory_space<hbm>>
      tpu.enqueue_dma source(%dma_start3A_37 : memref<32768xf32, #tpu.memory_space<hbm>>) target(%arg11 : memref<32768xf32, #tpu.memory_space<vmem>>) target_semaphore(%run_scoped3A : memref<!tpu.dma_semaphore, #tpu.memory_space<semaphore_mem>>)
      %dma_wait3A = tpu.memref_slice %arg3[%mul3A_6] : memref<1048576xf32, #tpu.memory_space<hbm>> -> memref<32768xf32, #tpu.memory_space<hbm>>
      %dma_wait3A_38 = tpu.memref_slice %arg3[%mul3A_6] : memref<1048576xf32, #tpu.memory_space<hbm>> -> memref<32768xf32, #tpu.memory_space<hbm>>
      tpu.wait_dma2 semaphore(%run_scoped3A : memref<!tpu.dma_semaphore, #tpu.memory_space<semaphore_mem>>) src(%dma_wait3A_38 : memref<32768xf32, #tpu.memory_space<hbm>>) dst(%arg11 : memref<32768xf32, #tpu.memory_space<vmem>>)
      tpu.yield
    }) : () -> ()
    %add3A_7 = arith.constant 0 : i32
    %add3A_8 = arith.addi %add3A_7, %mul3A_2 : i32
    "tpu.region"() ({
      %run_scoped3A = tpu.sem_alloc : memref<!tpu.dma_semaphore, #tpu.memory_space<semaphore_mem>>
      %dma_start3A = arith.constant 0 : i32
      %dma_start3A_37 = tpu.memref_slice %arg12[%dma_start3A] : memref<3072xf32, #tpu.memory_space<vmem>> -> memref<512xf32, #tpu.memory_space<vmem>>
      %dma_start3A_38 = tpu.memref_slice %arg4[%add3A_8] : memref<98304xf32, #tpu.memory_space<hbm>> -> memref<512xf32, #tpu.memory_space<hbm>>
      %dma_start3A_39 = arith.constant 0 : i32
      %dma_start3A_40 = tpu.memref_slice %arg12[%dma_start3A_39] : memref<3072xf32, #tpu.memory_space<vmem>> -> memref<512xf32, #tpu.memory_space<vmem>>
      %dma_start3A_41 = tpu.memref_slice %arg4[%add3A_8] : memref<98304xf32, #tpu.memory_space<hbm>> -> memref<512xf32, #tpu.memory_space<hbm>>
      tpu.enqueue_dma source(%dma_start3A_41 : memref<512xf32, #tpu.memory_space<hbm>>) target(%dma_start3A_40 : memref<512xf32, #tpu.memory_space<vmem>>) target_semaphore(%run_scoped3A : memref<!tpu.dma_semaphore, #tpu.memory_space<semaphore_mem>>)
      %dma_wait3A = arith.constant 0 : i32
      %dma_wait3A_42 = tpu.memref_slice %arg12[%dma_wait3A] : memref<3072xf32, #tpu.memory_space<vmem>> -> memref<512xf32, #tpu.memory_space<vmem>>
      %dma_wait3A_43 = tpu.memref_slice %arg4[%add3A_8] : memref<98304xf32, #tpu.memory_space<hbm>> -> memref<512xf32, #tpu.memory_space<hbm>>
      %dma_wait3A_44 = arith.constant 0 : i32
      %dma_wait3A_45 = tpu.memref_slice %arg12[%dma_wait3A_44] : memref<3072xf32, #tpu.memory_space<vmem>> -> memref<512xf32, #tpu.memory_space<vmem>>
      %dma_wait3A_46 = tpu.memref_slice %arg4[%add3A_8] : memref<98304xf32, #tpu.memory_space<hbm>> -> memref<512xf32, #tpu.memory_space<hbm>>
      tpu.wait_dma2 semaphore(%run_scoped3A : memref<!tpu.dma_semaphore, #tpu.memory_space<semaphore_mem>>) src(%dma_wait3A_46 : memref<512xf32, #tpu.memory_space<hbm>>) dst(%dma_wait3A_45 : memref<512xf32, #tpu.memory_space<vmem>>)
      tpu.yield
    }) : () -> ()
    %add3A_9 = arith.constant 16384 : i32
    %add3A_10 = arith.addi %add3A_9, %mul3A_2 : i32
    "tpu.region"() ({
      %run_scoped3A = tpu.sem_alloc : memref<!tpu.dma_semaphore, #tpu.memory_space<semaphore_mem>>
      %dma_start3A = arith.constant 512 : i32
      %dma_start3A_37 = tpu.memref_slice %arg12[%dma_start3A] : memref<3072xf32, #tpu.memory_space<vmem>> -> memref<512xf32, #tpu.memory_space<vmem>>
      %dma_start3A_38 = tpu.memref_slice %arg4[%add3A_10] : memref<98304xf32, #tpu.memory_space<hbm>> -> memref<512xf32, #tpu.memory_space<hbm>>
      %dma_start3A_39 = arith.constant 512 : i32
      %dma_start3A_40 = tpu.memref_slice %arg12[%dma_start3A_39] : memref<3072xf32, #tpu.memory_space<vmem>> -> memref<512xf32, #tpu.memory_space<vmem>>
      %dma_start3A_41 = tpu.memref_slice %arg4[%add3A_10] : memref<98304xf32, #tpu.memory_space<hbm>> -> memref<512xf32, #tpu.memory_space<hbm>>
      tpu.enqueue_dma source(%dma_start3A_41 : memref<512xf32, #tpu.memory_space<hbm>>) target(%dma_start3A_40 : memref<512xf32, #tpu.memory_space<vmem>>) target_semaphore(%run_scoped3A : memref<!tpu.dma_semaphore, #tpu.memory_space<semaphore_mem>>)
      %dma_wait3A = arith.constant 512 : i32
      %dma_wait3A_42 = tpu.memref_slice %arg12[%dma_wait3A] : memref<3072xf32, #tpu.memory_space<vmem>> -> memref<512xf32, #tpu.memory_space<vmem>>
      %dma_wait3A_43 = tpu.memref_slice %arg4[%add3A_10] : memref<98304xf32, #tpu.memory_space<hbm>> -> memref<512xf32, #tpu.memory_space<hbm>>
      %dma_wait3A_44 = arith.constant 512 : i32
      %dma_wait3A_45 = tpu.memref_slice %arg12[%dma_wait3A_44] : memref<3072xf32, #tpu.memory_space<vmem>> -> memref<512xf32, #tpu.memory_space<vmem>>
      %dma_wait3A_46 = tpu.memref_slice %arg4[%add3A_10] : memref<98304xf32, #tpu.memory_space<hbm>> -> memref<512xf32, #tpu.memory_space<hbm>>
      tpu.wait_dma2 semaphore(%run_scoped3A : memref<!tpu.dma_semaphore, #tpu.memory_space<semaphore_mem>>) src(%dma_wait3A_46 : memref<512xf32, #tpu.memory_space<hbm>>) dst(%dma_wait3A_45 : memref<512xf32, #tpu.memory_space<vmem>>)
      tpu.yield
    }) : () -> ()
    %add3A_11 = arith.constant 32768 : i32
    %add3A_12 = arith.addi %add3A_11, %mul3A_2 : i32
    "tpu.region"() ({
      %run_scoped3A = tpu.sem_alloc : memref<!tpu.dma_semaphore, #tpu.memory_space<semaphore_mem>>
      %dma_start3A = arith.constant 1024 : i32
      %dma_start3A_37 = tpu.memref_slice %arg12[%dma_start3A] : memref<3072xf32, #tpu.memory_space<vmem>> -> memref<512xf32, #tpu.memory_space<vmem>>
      %dma_start3A_38 = tpu.memref_slice %arg4[%add3A_12] : memref<98304xf32, #tpu.memory_space<hbm>> -> memref<512xf32, #tpu.memory_space<hbm>>
      %dma_start3A_39 = arith.constant 1024 : i32
      %dma_start3A_40 = tpu.memref_slice %arg12[%dma_start3A_39] : memref<3072xf32, #tpu.memory_space<vmem>> -> memref<512xf32, #tpu.memory_space<vmem>>
      %dma_start3A_41 = tpu.memref_slice %arg4[%add3A_12] : memref<98304xf32, #tpu.memory_space<hbm>> -> memref<512xf32, #tpu.memory_space<hbm>>
      tpu.enqueue_dma source(%dma_start3A_41 : memref<512xf32, #tpu.memory_space<hbm>>) target(%dma_start3A_40 : memref<512xf32, #tpu.memory_space<vmem>>) target_semaphore(%run_scoped3A : memref<!tpu.dma_semaphore, #tpu.memory_space<semaphore_mem>>)
      %dma_wait3A = arith.constant 1024 : i32
      %dma_wait3A_42 = tpu.memref_slice %arg12[%dma_wait3A] : memref<3072xf32, #tpu.memory_space<vmem>> -> memref<512xf32, #tpu.memory_space<vmem>>
      %dma_wait3A_43 = tpu.memref_slice %arg4[%add3A_12] : memref<98304xf32, #tpu.memory_space<hbm>> -> memref<512xf32, #tpu.memory_space<hbm>>
      %dma_wait3A_44 = arith.constant 1024 : i32
      %dma_wait3A_45 = tpu.memref_slice %arg12[%dma_wait3A_44] : memref<3072xf32, #tpu.memory_space<vmem>> -> memref<512xf32, #tpu.memory_space<vmem>>
      %dma_wait3A_46 = tpu.memref_slice %arg4[%add3A_12] : memref<98304xf32, #tpu.memory_space<hbm>> -> memref<512xf32, #tpu.memory_space<hbm>>
      tpu.wait_dma2 semaphore(%run_scoped3A : memref<!tpu.dma_semaphore, #tpu.memory_space<semaphore_mem>>) src(%dma_wait3A_46 : memref<512xf32, #tpu.memory_space<hbm>>) dst(%dma_wait3A_45 : memref<512xf32, #tpu.memory_space<vmem>>)
      tpu.yield
    }) : () -> ()
    %add3A_13 = arith.constant 49152 : i32
    %add3A_14 = arith.addi %add3A_13, %mul3A_2 : i32
    "tpu.region"() ({
      %run_scoped3A = tpu.sem_alloc : memref<!tpu.dma_semaphore, #tpu.memory_space<semaphore_mem>>
      %dma_start3A = arith.constant 1536 : i32
      %dma_start3A_37 = tpu.memref_slice %arg12[%dma_start3A] : memref<3072xf32, #tpu.memory_space<vmem>> -> memref<512xf32, #tpu.memory_space<vmem>>
      %dma_start3A_38 = tpu.memref_slice %arg4[%add3A_14] : memref<98304xf32, #tpu.memory_space<hbm>> -> memref<512xf32, #tpu.memory_space<hbm>>
      %dma_start3A_39 = arith.constant 1536 : i32
      %dma_start3A_40 = tpu.memref_slice %arg12[%dma_start3A_39] : memref<3072xf32, #tpu.memory_space<vmem>> -> memref<512xf32, #tpu.memory_space<vmem>>
      %dma_start3A_41 = tpu.memref_slice %arg4[%add3A_14] : memref<98304xf32, #tpu.memory_space<hbm>> -> memref<512xf32, #tpu.memory_space<hbm>>
      tpu.enqueue_dma source(%dma_start3A_41 : memref<512xf32, #tpu.memory_space<hbm>>) target(%dma_start3A_40 : memref<512xf32, #tpu.memory_space<vmem>>) target_semaphore(%run_scoped3A : memref<!tpu.dma_semaphore, #tpu.memory_space<semaphore_mem>>)
      %dma_wait3A = arith.constant 1536 : i32
      %dma_wait3A_42 = tpu.memref_slice %arg12[%dma_wait3A] : memref<3072xf32, #tpu.memory_space<vmem>> -> memref<512xf32, #tpu.memory_space<vmem>>
      %dma_wait3A_43 = tpu.memref_slice %arg4[%add3A_14] : memref<98304xf32, #tpu.memory_space<hbm>> -> memref<512xf32, #tpu.memory_space<hbm>>
      %dma_wait3A_44 = arith.constant 1536 : i32
      %dma_wait3A_45 = tpu.memref_slice %arg12[%dma_wait3A_44] : memref<3072xf32, #tpu.memory_space<vmem>> -> memref<512xf32, #tpu.memory_space<vmem>>
      %dma_wait3A_46 = tpu.memref_slice %arg4[%add3A_14] : memref<98304xf32, #tpu.memory_space<hbm>> -> memref<512xf32, #tpu.memory_space<hbm>>
      tpu.wait_dma2 semaphore(%run_scoped3A : memref<!tpu.dma_semaphore, #tpu.memory_space<semaphore_mem>>) src(%dma_wait3A_46 : memref<512xf32, #tpu.memory_space<hbm>>) dst(%dma_wait3A_45 : memref<512xf32, #tpu.memory_space<vmem>>)
      tpu.yield
    }) : () -> ()
    %add3A_15 = arith.constant 65536 : i32
    %add3A_16 = arith.addi %add3A_15, %mul3A_2 : i32
    "tpu.region"() ({
      %run_scoped3A = tpu.sem_alloc : memref<!tpu.dma_semaphore, #tpu.memory_space<semaphore_mem>>
      %dma_start3A = arith.constant 2048 : i32
      %dma_start3A_37 = tpu.memref_slice %arg12[%dma_start3A] : memref<3072xf32, #tpu.memory_space<vmem>> -> memref<512xf32, #tpu.memory_space<vmem>>
      %dma_start3A_38 = tpu.memref_slice %arg4[%add3A_16] : memref<98304xf32, #tpu.memory_space<hbm>> -> memref<512xf32, #tpu.memory_space<hbm>>
      %dma_start3A_39 = arith.constant 2048 : i32
      %dma_start3A_40 = tpu.memref_slice %arg12[%dma_start3A_39] : memref<3072xf32, #tpu.memory_space<vmem>> -> memref<512xf32, #tpu.memory_space<vmem>>
      %dma_start3A_41 = tpu.memref_slice %arg4[%add3A_16] : memref<98304xf32, #tpu.memory_space<hbm>> -> memref<512xf32, #tpu.memory_space<hbm>>
      tpu.enqueue_dma source(%dma_start3A_41 : memref<512xf32, #tpu.memory_space<hbm>>) target(%dma_start3A_40 : memref<512xf32, #tpu.memory_space<vmem>>) target_semaphore(%run_scoped3A : memref<!tpu.dma_semaphore, #tpu.memory_space<semaphore_mem>>)
      %dma_wait3A = arith.constant 2048 : i32
      %dma_wait3A_42 = tpu.memref_slice %arg12[%dma_wait3A] : memref<3072xf32, #tpu.memory_space<vmem>> -> memref<512xf32, #tpu.memory_space<vmem>>
      %dma_wait3A_43 = tpu.memref_slice %arg4[%add3A_16] : memref<98304xf32, #tpu.memory_space<hbm>> -> memref<512xf32, #tpu.memory_space<hbm>>
      %dma_wait3A_44 = arith.constant 2048 : i32
      %dma_wait3A_45 = tpu.memref_slice %arg12[%dma_wait3A_44] : memref<3072xf32, #tpu.memory_space<vmem>> -> memref<512xf32, #tpu.memory_space<vmem>>
      %dma_wait3A_46 = tpu.memref_slice %arg4[%add3A_16] : memref<98304xf32, #tpu.memory_space<hbm>> -> memref<512xf32, #tpu.memory_space<hbm>>
      tpu.wait_dma2 semaphore(%run_scoped3A : memref<!tpu.dma_semaphore, #tpu.memory_space<semaphore_mem>>) src(%dma_wait3A_46 : memref<512xf32, #tpu.memory_space<hbm>>) dst(%dma_wait3A_45 : memref<512xf32, #tpu.memory_space<vmem>>)
      tpu.yield
    }) : () -> ()
    %add3A_17 = arith.constant 81920 : i32
    %add3A_18 = arith.addi %add3A_17, %mul3A_2 : i32
    "tpu.region"() ({
      %run_scoped3A = tpu.sem_alloc : memref<!tpu.dma_semaphore, #tpu.memory_space<semaphore_mem>>
      %dma_start3A = arith.constant 2560 : i32
      %dma_start3A_37 = tpu.memref_slice %arg12[%dma_start3A] : memref<3072xf32, #tpu.memory_space<vmem>> -> memref<512xf32, #tpu.memory_space<vmem>>
      %dma_start3A_38 = tpu.memref_slice %arg4[%add3A_18] : memref<98304xf32, #tpu.memory_space<hbm>> -> memref<512xf32, #tpu.memory_space<hbm>>
      %dma_start3A_39 = arith.constant 2560 : i32
      %dma_start3A_40 = tpu.memref_slice %arg12[%dma_start3A_39] : memref<3072xf32, #tpu.memory_space<vmem>> -> memref<512xf32, #tpu.memory_space<vmem>>
      %dma_start3A_41 = tpu.memref_slice %arg4[%add3A_18] : memref<98304xf32, #tpu.memory_space<hbm>> -> memref<512xf32, #tpu.memory_space<hbm>>
      tpu.enqueue_dma source(%dma_start3A_41 : memref<512xf32, #tpu.memory_space<hbm>>) target(%dma_start3A_40 : memref<512xf32, #tpu.memory_space<vmem>>) target_semaphore(%run_scoped3A : memref<!tpu.dma_semaphore, #tpu.memory_space<semaphore_mem>>)
      %dma_wait3A = arith.constant 2560 : i32
      %dma_wait3A_42 = tpu.memref_slice %arg12[%dma_wait3A] : memref<3072xf32, #tpu.memory_space<vmem>> -> memref<512xf32, #tpu.memory_space<vmem>>
      %dma_wait3A_43 = tpu.memref_slice %arg4[%add3A_18] : memref<98304xf32, #tpu.memory_space<hbm>> -> memref<512xf32, #tpu.memory_space<hbm>>
      %dma_wait3A_44 = arith.constant 2560 : i32
      %dma_wait3A_45 = tpu.memref_slice %arg12[%dma_wait3A_44] : memref<3072xf32, #tpu.memory_space<vmem>> -> memref<512xf32, #tpu.memory_space<vmem>>
      %dma_wait3A_46 = tpu.memref_slice %arg4[%add3A_18] : memref<98304xf32, #tpu.memory_space<hbm>> -> memref<512xf32, #tpu.memory_space<hbm>>
      tpu.wait_dma2 semaphore(%run_scoped3A : memref<!tpu.dma_semaphore, #tpu.memory_space<semaphore_mem>>) src(%dma_wait3A_46 : memref<512xf32, #tpu.memory_space<hbm>>) dst(%dma_wait3A_45 : memref<512xf32, #tpu.memory_space<vmem>>)
      tpu.yield
    }) : () -> ()
    "tpu.region"() ({
      %run_scoped3A = tpu.sem_alloc : memref<!tpu.dma_semaphore, #tpu.memory_space<semaphore_mem>>
      %dma_start3A = tpu.memref_slice %arg5[%mul3A_2] : memref<16384xi32, #tpu.memory_space<hbm>> -> memref<512xi32, #tpu.memory_space<hbm>>
      %dma_start3A_37 = tpu.memref_slice %arg5[%mul3A_2] : memref<16384xi32, #tpu.memory_space<hbm>> -> memref<512xi32, #tpu.memory_space<hbm>>
      tpu.enqueue_dma source(%dma_start3A_37 : memref<512xi32, #tpu.memory_space<hbm>>) target(%arg13 : memref<512xi32, #tpu.memory_space<vmem>>) target_semaphore(%run_scoped3A : memref<!tpu.dma_semaphore, #tpu.memory_space<semaphore_mem>>)
      %dma_wait3A = tpu.memref_slice %arg5[%mul3A_2] : memref<16384xi32, #tpu.memory_space<hbm>> -> memref<512xi32, #tpu.memory_space<hbm>>
      %dma_wait3A_38 = tpu.memref_slice %arg5[%mul3A_2] : memref<16384xi32, #tpu.memory_space<hbm>> -> memref<512xi32, #tpu.memory_space<hbm>>
      tpu.wait_dma2 semaphore(%run_scoped3A : memref<!tpu.dma_semaphore, #tpu.memory_space<semaphore_mem>>) src(%dma_wait3A_38 : memref<512xi32, #tpu.memory_space<hbm>>) dst(%arg13 : memref<512xi32, #tpu.memory_space<vmem>>)
      tpu.yield
    }) : () -> ()
    "tpu.region"() ({
      %run_scoped3A = tpu.sem_alloc : memref<!tpu.dma_semaphore, #tpu.memory_space<semaphore_mem>>
      tpu.enqueue_dma source(%arg6 : memref<8xf32, #tpu.memory_space<hbm>>) target(%arg14 : memref<8xf32, #tpu.memory_space<vmem>>) target_semaphore(%run_scoped3A : memref<!tpu.dma_semaphore, #tpu.memory_space<semaphore_mem>>)
      tpu.wait_dma2 semaphore(%run_scoped3A : memref<!tpu.dma_semaphore, #tpu.memory_space<semaphore_mem>>) src(%arg6 : memref<8xf32, #tpu.memory_space<hbm>>) dst(%arg14 : memref<8xf32, #tpu.memory_space<vmem>>)
      tpu.yield
    }) : () -> ()
    "tpu.region"() ({
      %run_scoped3A = tpu.sem_alloc : memref<!tpu.dma_semaphore, #tpu.memory_space<semaphore_mem>>
      tpu.enqueue_dma source(%arg7 : memref<8xf32, #tpu.memory_space<hbm>>) target(%arg15 : memref<8xf32, #tpu.memory_space<vmem>>) target_semaphore(%run_scoped3A : memref<!tpu.dma_semaphore, #tpu.memory_space<semaphore_mem>>)
      tpu.wait_dma2 semaphore(%run_scoped3A : memref<!tpu.dma_semaphore, #tpu.memory_space<semaphore_mem>>) src(%arg7 : memref<8xf32, #tpu.memory_space<hbm>>) dst(%arg15 : memref<8xf32, #tpu.memory_space<vmem>>)
      tpu.yield
    }) : () -> ()
    %iota3A = tpu.iota {dimensions = array<i32: 0>} : vector<16xi32>
    %scan3A = arith.constant 0 : i32
    %scan3A_19 = arith.constant 0 : i32
    %scan3A_20 = arith.constant 32 : i32
    %scan3A_21 = arith.addi %scan3A_19, %scan3A_20 : i32
    %scan3A_22 = arith.constant 1 : i32
    %scan3A_23 = scf.for %scan3A_37 = %scan3A_19 to %scan3A_21 step %scan3A_22 iter_args(%scan3A_38 = %scan3A) -> (i32)  : i32 {
      %mul3A_39 = arith.constant 16 : i32
      %mul3A_40 = arith.muli %scan3A_37, %mul3A_39 : i32
      %get3A = arith.index_cast %mul3A_40 : i32 to index
      %get3A_41 = tpu.vector_load %arg13[%get3A] {strides = array<i32>} : memref<512xi32, #tpu.memory_space<vmem>>, vector<16xi32>,
      %add3A_42 = vector.broadcast %mul3A_40 : i32 to vector<16xi32>
      %add3A_43 = arith.addi %add3A_42, %iota3A : vector<16xi32>
      %mul3A_44 = arith.constant 64 : i32
      %mul3A_45 = vector.broadcast %mul3A_44 : i32 to vector<16xi32>
      %mul3A_46 = arith.muli %add3A_43, %mul3A_45 : vector<16xi32>
      %add3A_47 = arith.constant 63 : i32
      %add3A_48 = vector.broadcast %add3A_47 : i32 to vector<16xi32>
      %add3A_49 = arith.addi %mul3A_46, %add3A_48 : vector<16xi32>
      %gather3A = tpu.vector_load_idx %arg10[%add3A_49] : memref<32768xf32, #tpu.memory_space<vmem>>[vector<16xi32>], vector<16xf32>,
      %gather3A_50 = tpu.vector_load_idx %arg14[%get3A_41] : memref<8xf32, #tpu.memory_space<vmem>>[vector<16xi32>], vector<16xf32>,
      %add3A_51 = arith.constant 0 : i32
      %add3A_52 = arith.addi %add3A_51, %mul3A_40 : i32
      %get3A_53 = arith.index_cast %add3A_52 : i32 to index
      %get3A_54 = tpu.vector_load %arg12[%get3A_53] {strides = array<i32>} : memref<3072xf32, #tpu.memory_space<vmem>>, vector<16xf32>,
      %le3A = arith.cmpf ole, %gather3A, %get3A_54 : vector<16xf32>
      %broadcast_in_dim3A = arith.constant 0 : i32
      %broadcast_in_dim3A_55 = vector.broadcast %broadcast_in_dim3A : i32 to vector<16xi32>
      %add3A_56 = arith.addi %mul3A_46, %broadcast_in_dim3A_55 : vector<16xi32>
      %add3A_57 = arith.constant 31 : i32
      %add3A_58 = vector.broadcast %add3A_57 : i32 to vector<16xi32>
      %add3A_59 = arith.addi %add3A_56, %add3A_58 : vector<16xi32>
      %gather3A_60 = tpu.vector_load_idx %arg10[%add3A_59] : memref<32768xf32, #tpu.memory_space<vmem>>[vector<16xi32>], vector<16xf32>,
      %le3A_61 = arith.cmpf ole, %gather3A_60, %get3A_54 : vector<16xf32>
      %jit3A = arith.constant 32 : i32
      %jit3A_62 = arith.constant 0 : i32
      %broadcast_in_dim3A_63 = vector.broadcast %jit3A : i32 to vector<16xi32>
      %broadcast_in_dim3A_64 = vector.broadcast %jit3A_62 : i32 to vector<16xi32>
      %select_n3A = arith.select %le3A_61, %broadcast_in_dim3A_63, %broadcast_in_dim3A_64 : vector<16xi1>, vector<16xi32>
      %add3A_65 = arith.addi %broadcast_in_dim3A_55, %select_n3A : vector<16xi32>
      %add3A_66 = arith.addi %mul3A_46, %add3A_65 : vector<16xi32>
      %add3A_67 = arith.constant 15 : i32
      %add3A_68 = vector.broadcast %add3A_67 : i32 to vector<16xi32>
      %add3A_69 = arith.addi %add3A_66, %add3A_68 : vector<16xi32>
      %gather3A_70 = tpu.vector_load_idx %arg10[%add3A_69] : memref<32768xf32, #tpu.memory_space<vmem>>[vector<16xi32>], vector<16xf32>,
      %le3A_71 = arith.cmpf ole, %gather3A_70, %get3A_54 : vector<16xf32>
      %jit3A_72 = arith.constant 16 : i32
      %jit3A_73 = arith.constant 0 : i32
      %broadcast_in_dim3A_74 = vector.broadcast %jit3A_72 : i32 to vector<16xi32>
      %broadcast_in_dim3A_75 = vector.broadcast %jit3A_73 : i32 to vector<16xi32>
      %select_n3A_76 = arith.select %le3A_71, %broadcast_in_dim3A_74, %broadcast_in_dim3A_75 : vector<16xi1>, vector<16xi32>
      %add3A_77 = arith.addi %add3A_65, %select_n3A_76 : vector<16xi32>
      %add3A_78 = arith.addi %mul3A_46, %add3A_77 : vector<16xi32>
      %add3A_79 = arith.constant 7 : i32
      %add3A_80 = vector.broadcast %add3A_79 : i32 to vector<16xi32>
      %add3A_81 = arith.addi %add3A_78, %add3A_80 : vector<16xi32>
      %gather3A_82 = tpu.vector_load_idx %arg10[%add3A_81] : memref<32768xf32, #tpu.memory_space<vmem>>[vector<16xi32>], vector<16xf32>,
      %le3A_83 = arith.cmpf ole, %gather3A_82, %get3A_54 : vector<16xf32>
      %jit3A_84 = arith.constant 8 : i32
      %jit3A_85 = arith.constant 0 : i32
      %broadcast_in_dim3A_86 = vector.broadcast %jit3A_84 : i32 to vector<16xi32>
      %broadcast_in_dim3A_87 = vector.broadcast %jit3A_85 : i32 to vector<16xi32>
      %select_n3A_88 = arith.select %le3A_83, %broadcast_in_dim3A_86, %broadcast_in_dim3A_87 : vector<16xi1>, vector<16xi32>
      %add3A_89 = arith.addi %add3A_77, %select_n3A_88 : vector<16xi32>
      %add3A_90 = arith.addi %mul3A_46, %add3A_89 : vector<16xi32>
      %add3A_91 = arith.constant 3 : i32
      %add3A_92 = vector.broadcast %add3A_91 : i32 to vector<16xi32>
      %add3A_93 = arith.addi %add3A_90, %add3A_92 : vector<16xi32>
      %gather3A_94 = tpu.vector_load_idx %arg10[%add3A_93] : memref<32768xf32, #tpu.memory_space<vmem>>[vector<16xi32>], vector<16xf32>,
      %le3A_95 = arith.cmpf ole, %gather3A_94, %get3A_54 : vector<16xf32>
      %jit3A_96 = arith.constant 4 : i32
      %jit3A_97 = arith.constant 0 : i32
      %broadcast_in_dim3A_98 = vector.broadcast %jit3A_96 : i32 to vector<16xi32>
      %broadcast_in_dim3A_99 = vector.broadcast %jit3A_97 : i32 to vector<16xi32>
      %select_n3A_100 = arith.select %le3A_95, %broadcast_in_dim3A_98, %broadcast_in_dim3A_99 : vector<16xi1>, vector<16xi32>
      %add3A_101 = arith.addi %add3A_89, %select_n3A_100 : vector<16xi32>
      %add3A_102 = arith.addi %mul3A_46, %add3A_101 : vector<16xi32>
      %add3A_103 = arith.constant 1 : i32
      %add3A_104 = vector.broadcast %add3A_103 : i32 to vector<16xi32>
      %add3A_105 = arith.addi %add3A_102, %add3A_104 : vector<16xi32>
      %gather3A_106 = tpu.vector_load_idx %arg10[%add3A_105] : memref<32768xf32, #tpu.memory_space<vmem>>[vector<16xi32>], vector<16xf32>,
      %le3A_107 = arith.cmpf ole, %gather3A_106, %get3A_54 : vector<16xf32>
      %jit3A_108 = arith.constant 2 : i32
      %jit3A_109 = arith.constant 0 : i32
      %broadcast_in_dim3A_110 = vector.broadcast %jit3A_108 : i32 to vector<16xi32>
      %broadcast_in_dim3A_111 = vector.broadcast %jit3A_109 : i32 to vector<16xi32>
      %select_n3A_112 = arith.select %le3A_107, %broadcast_in_dim3A_110, %broadcast_in_dim3A_111 : vector<16xi1>, vector<16xi32>
      %add3A_113 = arith.addi %add3A_101, %select_n3A_112 : vector<16xi32>
      %add3A_114 = arith.addi %mul3A_46, %add3A_113 : vector<16xi32>
      %add3A_115 = arith.constant 0 : i32
      %add3A_116 = vector.broadcast %add3A_115 : i32 to vector<16xi32>
      %add3A_117 = arith.addi %add3A_114, %add3A_116 : vector<16xi32>
      %gather3A_118 = tpu.vector_load_idx %arg10[%add3A_117] : memref<32768xf32, #tpu.memory_space<vmem>>[vector<16xi32>], vector<16xf32>,
      %le3A_119 = arith.cmpf ole, %gather3A_118, %get3A_54 : vector<16xf32>
      %jit3A_120 = arith.constant 1 : i32
      %jit3A_121 = arith.constant 0 : i32
      %broadcast_in_dim3A_122 = vector.broadcast %jit3A_120 : i32 to vector<16xi32>
      %broadcast_in_dim3A_123 = vector.broadcast %jit3A_121 : i32 to vector<16xi32>
      %select_n3A_124 = arith.select %le3A_119, %broadcast_in_dim3A_122, %broadcast_in_dim3A_123 : vector<16xi1>, vector<16xi32>
      %add3A_125 = arith.addi %add3A_113, %select_n3A_124 : vector<16xi32>
      %jit3A_126 = arith.constant 0 : i32
      %broadcast_in_dim3A_127 = vector.broadcast %jit3A_126 : i32 to vector<16xi32>
      %select_n3A_128 = arith.select %le3A, %broadcast_in_dim3A_127, %add3A_125 : vector<16xi1>, vector<16xi32>
      %ge3A = arith.constant 1 : i32
      %ge3A_129 = vector.broadcast %ge3A : i32 to vector<16xi32>
      %ge3A_130 = arith.cmpi sge, %get3A_41, %ge3A_129 : vector<16xi32>
      %convert_element_type3A = arith.extui %ge3A_130 : vector<16xi1> to vector<16xi32>
      %broadcast_in_dim3A_131 = arith.constant 1 : i32
      %broadcast_in_dim3A_132 = vector.broadcast %broadcast_in_dim3A_131 : i32 to vector<16xi32>
      %add3A_133 = arith.addi %mul3A_46, %select_n3A_128 : vector<16xi32>
      %gather3A_134 = tpu.vector_load_idx %arg11[%add3A_133] : memref<32768xf32, #tpu.memory_space<vmem>>[vector<16xi32>], vector<16xf32>,
      %gather3A_135 = tpu.vector_load_idx %arg15[%broadcast_in_dim3A_132] : memref<8xf32, #tpu.memory_space<vmem>>[vector<16xi32>], vector<16xf32>,
      %convert_element_type3A_136 = arith.sitofp %convert_element_type3A : vector<16xi32> to vector<16xf32>
      %sub3A = arith.subf %gather3A_134, %gather3A_135 : vector<16xf32>
      %mul3A_137 = arith.mulf %convert_element_type3A_136, %sub3A : vector<16xf32>
      %add3A_138 = arith.addf %gather3A_50, %mul3A_137 : vector<16xf32>
      %add3A_139 = arith.constant 0 : i32
      %add3A_140 = arith.addi %add3A_139, %mul3A_40 : i32
      %swap3A = arith.index_cast %add3A_140 : i32 to index
      %swap3A_141 = tpu.vector_load %arg16[%swap3A] {strides = array<i32>} : memref<3072xi32, #tpu.memory_space<vmem>>, vector<16xi32>,
      tpu.vector_store %arg16[%swap3A], %select_n3A_128 {strides = array<i32>} : memref<3072xi32, #tpu.memory_space<vmem>>, vector<16xi32>,
      %add3A_142 = arith.constant 512 : i32
      %add3A_143 = arith.addi %add3A_142, %mul3A_40 : i32
      %get3A_144 = arith.index_cast %add3A_143 : i32 to index
      %get3A_145 = tpu.vector_load %arg12[%get3A_144] {strides = array<i32>} : memref<3072xf32, #tpu.memory_space<vmem>>, vector<16xf32>,
      %le3A_146 = arith.cmpf ole, %gather3A, %get3A_145 : vector<16xf32>
      %broadcast_in_dim3A_147 = arith.constant 0 : i32
      %broadcast_in_dim3A_148 = vector.broadcast %broadcast_in_dim3A_147 : i32 to vector<16xi32>
      %add3A_149 = arith.addi %mul3A_46, %broadcast_in_dim3A_148 : vector<16xi32>
      %add3A_150 = arith.constant 31 : i32
      %add3A_151 = vector.broadcast %add3A_150 : i32 to vector<16xi32>
      %add3A_152 = arith.addi %add3A_149, %add3A_151 : vector<16xi32>
      %gather3A_153 = tpu.vector_load_idx %arg10[%add3A_152] : memref<32768xf32, #tpu.memory_space<vmem>>[vector<16xi32>], vector<16xf32>,
      %le3A_154 = arith.cmpf ole, %gather3A_153, %get3A_145 : vector<16xf32>
      %jit3A_155 = arith.constant 32 : i32
      %jit3A_156 = arith.constant 0 : i32
      %broadcast_in_dim3A_157 = vector.broadcast %jit3A_155 : i32 to vector<16xi32>
      %broadcast_in_dim3A_158 = vector.broadcast %jit3A_156 : i32 to vector<16xi32>
      %select_n3A_159 = arith.select %le3A_154, %broadcast_in_dim3A_157, %broadcast_in_dim3A_158 : vector<16xi1>, vector<16xi32>
      %add3A_160 = arith.addi %broadcast_in_dim3A_148, %select_n3A_159 : vector<16xi32>
      %add3A_161 = arith.addi %mul3A_46, %add3A_160 : vector<16xi32>
      %add3A_162 = arith.constant 15 : i32
      %add3A_163 = vector.broadcast %add3A_162 : i32 to vector<16xi32>
      %add3A_164 = arith.addi %add3A_161, %add3A_163 : vector<16xi32>
      %gather3A_165 = tpu.vector_load_idx %arg10[%add3A_164] : memref<32768xf32, #tpu.memory_space<vmem>>[vector<16xi32>], vector<16xf32>,
      %le3A_166 = arith.cmpf ole, %gather3A_165, %get3A_145 : vector<16xf32>
      %jit3A_167 = arith.constant 16 : i32
      %jit3A_168 = arith.constant 0 : i32
      %broadcast_in_dim3A_169 = vector.broadcast %jit3A_167 : i32 to vector<16xi32>
      %broadcast_in_dim3A_170 = vector.broadcast %jit3A_168 : i32 to vector<16xi32>
      %select_n3A_171 = arith.select %le3A_166, %broadcast_in_dim3A_169, %broadcast_in_dim3A_170 : vector<16xi1>, vector<16xi32>
      %add3A_172 = arith.addi %add3A_160, %select_n3A_171 : vector<16xi32>
      %add3A_173 = arith.addi %mul3A_46, %add3A_172 : vector<16xi32>
      %add3A_174 = arith.constant 7 : i32
      %add3A_175 = vector.broadcast %add3A_174 : i32 to vector<16xi32>
      %add3A_176 = arith.addi %add3A_173, %add3A_175 : vector<16xi32>
      %gather3A_177 = tpu.vector_load_idx %arg10[%add3A_176] : memref<32768xf32, #tpu.memory_space<vmem>>[vector<16xi32>], vector<16xf32>,
      %le3A_178 = arith.cmpf ole, %gather3A_177, %get3A_145 : vector<16xf32>
      %jit3A_179 = arith.constant 8 : i32
      %jit3A_180 = arith.constant 0 : i32
      %broadcast_in_dim3A_181 = vector.broadcast %jit3A_179 : i32 to vector<16xi32>
      %broadcast_in_dim3A_182 = vector.broadcast %jit3A_180 : i32 to vector<16xi32>
      %select_n3A_183 = arith.select %le3A_178, %broadcast_in_dim3A_181, %broadcast_in_dim3A_182 : vector<16xi1>, vector<16xi32>
      %add3A_184 = arith.addi %add3A_172, %select_n3A_183 : vector<16xi32>
      %add3A_185 = arith.addi %mul3A_46, %add3A_184 : vector<16xi32>
      %add3A_186 = arith.constant 3 : i32
      %add3A_187 = vector.broadcast %add3A_186 : i32 to vector<16xi32>
      %add3A_188 = arith.addi %add3A_185, %add3A_187 : vector<16xi32>
      %gather3A_189 = tpu.vector_load_idx %arg10[%add3A_188] : memref<32768xf32, #tpu.memory_space<vmem>>[vector<16xi32>], vector<16xf32>,
      %le3A_190 = arith.cmpf ole, %gather3A_189, %get3A_145 : vector<16xf32>
      %jit3A_191 = arith.constant 4 : i32
      %jit3A_192 = arith.constant 0 : i32
      %broadcast_in_dim3A_193 = vector.broadcast %jit3A_191 : i32 to vector<16xi32>
      %broadcast_in_dim3A_194 = vector.broadcast %jit3A_192 : i32 to vector<16xi32>
      %select_n3A_195 = arith.select %le3A_190, %broadcast_in_dim3A_193, %broadcast_in_dim3A_194 : vector<16xi1>, vector<16xi32>
      %add3A_196 = arith.addi %add3A_184, %select_n3A_195 : vector<16xi32>
      %add3A_197 = arith.addi %mul3A_46, %add3A_196 : vector<16xi32>
      %add3A_198 = arith.constant 1 : i32
      %add3A_199 = vector.broadcast %add3A_198 : i32 to vector<16xi32>
      %add3A_200 = arith.addi %add3A_197, %add3A_199 : vector<16xi32>
      %gather3A_201 = tpu.vector_load_idx %arg10[%add3A_200] : memref<32768xf32, #tpu.memory_space<vmem>>[vector<16xi32>], vector<16xf32>,
      %le3A_202 = arith.cmpf ole, %gather3A_201, %get3A_145 : vector<16xf32>
      %jit3A_203 = arith.constant 2 : i32
      %jit3A_204 = arith.constant 0 : i32
      %broadcast_in_dim3A_205 = vector.broadcast %jit3A_203 : i32 to vector<16xi32>
      %broadcast_in_dim3A_206 = vector.broadcast %jit3A_204 : i32 to vector<16xi32>
      %select_n3A_207 = arith.select %le3A_202, %broadcast_in_dim3A_205, %broadcast_in_dim3A_206 : vector<16xi1>, vector<16xi32>
      %add3A_208 = arith.addi %add3A_196, %select_n3A_207 : vector<16xi32>
      %add3A_209 = arith.addi %mul3A_46, %add3A_208 : vector<16xi32>
      %add3A_210 = arith.constant 0 : i32
      %add3A_211 = vector.broadcast %add3A_210 : i32 to vector<16xi32>
      %add3A_212 = arith.addi %add3A_209, %add3A_211 : vector<16xi32>
      %gather3A_213 = tpu.vector_load_idx %arg10[%add3A_212] : memref<32768xf32, #tpu.memory_space<vmem>>[vector<16xi32>], vector<16xf32>,
      %le3A_214 = arith.cmpf ole, %gather3A_213, %get3A_145 : vector<16xf32>
      %jit3A_215 = arith.constant 1 : i32
      %jit3A_216 = arith.constant 0 : i32
      %broadcast_in_dim3A_217 = vector.broadcast %jit3A_215 : i32 to vector<16xi32>
      %broadcast_in_dim3A_218 = vector.broadcast %jit3A_216 : i32 to vector<16xi32>
      %select_n3A_219 = arith.select %le3A_214, %broadcast_in_dim3A_217, %broadcast_in_dim3A_218 : vector<16xi1>, vector<16xi32>
      %add3A_220 = arith.addi %add3A_208, %select_n3A_219 : vector<16xi32>
      %jit3A_221 = arith.constant 0 : i32
      %broadcast_in_dim3A_222 = vector.broadcast %jit3A_221 : i32 to vector<16xi32>
      %select_n3A_223 = arith.select %le3A_146, %broadcast_in_dim3A_222, %add3A_220 : vector<16xi1>, vector<16xi32>
      %ge3A_224 = arith.constant 2 : i32
      %ge3A_225 = vector.broadcast %ge3A_224 : i32 to vector<16xi32>
      %ge3A_226 = arith.cmpi sge, %get3A_41, %ge3A_225 : vector<16xi32>
      %convert_element_type3A_227 = arith.extui %ge3A_226 : vector<16xi1> to vector<16xi32>
      %broadcast_in_dim3A_228 = arith.constant 1 : i32
      %broadcast_in_dim3A_229 = vector.broadcast %broadcast_in_dim3A_228 : i32 to vector<16xi32>
      %eq3A = arith.cmpi eq, %select_n3A_128, %select_n3A_223 : vector<16xi32>
      %jit3A_230 = arith.constant 0 : i32
      %broadcast_in_dim3A_231 = vector.broadcast %jit3A_230 : i32 to vector<16xi32>
      %select_n3A_232 = arith.select %eq3A, %convert_element_type3A, %broadcast_in_dim3A_231 : vector<16xi1>, vector<16xi32>
      %add3A_233 = arith.addi %broadcast_in_dim3A_229, %select_n3A_232 : vector<16xi32>
      %add3A_234 = arith.addi %mul3A_46, %select_n3A_223 : vector<16xi32>
      %gather3A_235 = tpu.vector_load_idx %arg11[%add3A_234] : memref<32768xf32, #tpu.memory_space<vmem>>[vector<16xi32>], vector<16xf32>,
      %gather3A_236 = tpu.vector_load_idx %arg15[%add3A_233] : memref<8xf32, #tpu.memory_space<vmem>>[vector<16xi32>], vector<16xf32>,
      %convert_element_type3A_237 = arith.sitofp %convert_element_type3A_227 : vector<16xi32> to vector<16xf32>
      %sub3A_238 = arith.subf %gather3A_235, %gather3A_236 : vector<16xf32>
      %mul3A_239 = arith.mulf %convert_element_type3A_237, %sub3A_238 : vector<16xf32>
      %add3A_240 = arith.addf %add3A_138, %mul3A_239 : vector<16xf32>
      %add3A_241 = arith.constant 512 : i32
      %add3A_242 = arith.addi %add3A_241, %mul3A_40 : i32
      %swap3A_243 = arith.index_cast %add3A_242 : i32 to index
      %swap3A_244 = tpu.vector_load %arg16[%swap3A_243] {strides = array<i32>} : memref<3072xi32, #tpu.memory_space<vmem>>, vector<16xi32>,
      tpu.vector_store %arg16[%swap3A_243], %select_n3A_223 {strides = array<i32>} : memref<3072xi32, #tpu.memory_space<vmem>>, vector<16xi32>,
      %add3A_245 = arith.constant 1024 : i32
      %add3A_246 = arith.addi %add3A_245, %mul3A_40 : i32
      %get3A_247 = arith.index_cast %add3A_246 : i32 to index
      %get3A_248 = tpu.vector_load %arg12[%get3A_247] {strides = array<i32>} : memref<3072xf32, #tpu.memory_space<vmem>>, vector<16xf32>,
      %le3A_249 = arith.cmpf ole, %gather3A, %get3A_248 : vector<16xf32>
      %broadcast_in_dim3A_250 = arith.constant 0 : i32
      %broadcast_in_dim3A_251 = vector.broadcast %broadcast_in_dim3A_250 : i32 to vector<16xi32>
      %add3A_252 = arith.addi %mul3A_46, %broadcast_in_dim3A_251 : vector<16xi32>
      %add3A_253 = arith.constant 31 : i32
      %add3A_254 = vector.broadcast %add3A_253 : i32 to vector<16xi32>
      %add3A_255 = arith.addi %add3A_252, %add3A_254 : vector<16xi32>
      %gather3A_256 = tpu.vector_load_idx %arg10[%add3A_255] : memref<32768xf32, #tpu.memory_space<vmem>>[vector<16xi32>], vector<16xf32>,
      %le3A_257 = arith.cmpf ole, %gather3A_256, %get3A_248 : vector<16xf32>
      %jit3A_258 = arith.constant 32 : i32
      %jit3A_259 = arith.constant 0 : i32
      %broadcast_in_dim3A_260 = vector.broadcast %jit3A_258 : i32 to vector<16xi32>
      %broadcast_in_dim3A_261 = vector.broadcast %jit3A_259 : i32 to vector<16xi32>
      %select_n3A_262 = arith.select %le3A_257, %broadcast_in_dim3A_260, %broadcast_in_dim3A_261 : vector<16xi1>, vector<16xi32>
      %add3A_263 = arith.addi %broadcast_in_dim3A_251, %select_n3A_262 : vector<16xi32>
      %add3A_264 = arith.addi %mul3A_46, %add3A_263 : vector<16xi32>
      %add3A_265 = arith.constant 15 : i32
      %add3A_266 = vector.broadcast %add3A_265 : i32 to vector<16xi32>
      %add3A_267 = arith.addi %add3A_264, %add3A_266 : vector<16xi32>
      %gather3A_268 = tpu.vector_load_idx %arg10[%add3A_267] : memref<32768xf32, #tpu.memory_space<vmem>>[vector<16xi32>], vector<16xf32>,
      %le3A_269 = arith.cmpf ole, %gather3A_268, %get3A_248 : vector<16xf32>
      %jit3A_270 = arith.constant 16 : i32
      %jit3A_271 = arith.constant 0 : i32
      %broadcast_in_dim3A_272 = vector.broadcast %jit3A_270 : i32 to vector<16xi32>
      %broadcast_in_dim3A_273 = vector.broadcast %jit3A_271 : i32 to vector<16xi32>
      %select_n3A_274 = arith.select %le3A_269, %broadcast_in_dim3A_272, %broadcast_in_dim3A_273 : vector<16xi1>, vector<16xi32>
      %add3A_275 = arith.addi %add3A_263, %select_n3A_274 : vector<16xi32>
      %add3A_276 = arith.addi %mul3A_46, %add3A_275 : vector<16xi32>
      %add3A_277 = arith.constant 7 : i32
      %add3A_278 = vector.broadcast %add3A_277 : i32 to vector<16xi32>
      %add3A_279 = arith.addi %add3A_276, %add3A_278 : vector<16xi32>
      %gather3A_280 = tpu.vector_load_idx %arg10[%add3A_279] : memref<32768xf32, #tpu.memory_space<vmem>>[vector<16xi32>], vector<16xf32>,
      %le3A_281 = arith.cmpf ole, %gather3A_280, %get3A_248 : vector<16xf32>
      %jit3A_282 = arith.constant 8 : i32
      %jit3A_283 = arith.constant 0 : i32
      %broadcast_in_dim3A_284 = vector.broadcast %jit3A_282 : i32 to vector<16xi32>
      %broadcast_in_dim3A_285 = vector.broadcast %jit3A_283 : i32 to vector<16xi32>
      %select_n3A_286 = arith.select %le3A_281, %broadcast_in_dim3A_284, %broadcast_in_dim3A_285 : vector<16xi1>, vector<16xi32>
      %add3A_287 = arith.addi %add3A_275, %select_n3A_286 : vector<16xi32>
      %add3A_288 = arith.addi %mul3A_46, %add3A_287 : vector<16xi32>
      %add3A_289 = arith.constant 3 : i32
      %add3A_290 = vector.broadcast %add3A_289 : i32 to vector<16xi32>
      %add3A_291 = arith.addi %add3A_288, %add3A_290 : vector<16xi32>
      %gather3A_292 = tpu.vector_load_idx %arg10[%add3A_291] : memref<32768xf32, #tpu.memory_space<vmem>>[vector<16xi32>], vector<16xf32>,
      %le3A_293 = arith.cmpf ole, %gather3A_292, %get3A_248 : vector<16xf32>
      %jit3A_294 = arith.constant 4 : i32
      %jit3A_295 = arith.constant 0 : i32
      %broadcast_in_dim3A_296 = vector.broadcast %jit3A_294 : i32 to vector<16xi32>
      %broadcast_in_dim3A_297 = vector.broadcast %jit3A_295 : i32 to vector<16xi32>
      %select_n3A_298 = arith.select %le3A_293, %broadcast_in_dim3A_296, %broadcast_in_dim3A_297 : vector<16xi1>, vector<16xi32>
      %add3A_299 = arith.addi %add3A_287, %select_n3A_298 : vector<16xi32>
      %add3A_300 = arith.addi %mul3A_46, %add3A_299 : vector<16xi32>
      %add3A_301 = arith.constant 1 : i32
      %add3A_302 = vector.broadcast %add3A_301 : i32 to vector<16xi32>
      %add3A_303 = arith.addi %add3A_300, %add3A_302 : vector<16xi32>
      %gather3A_304 = tpu.vector_load_idx %arg10[%add3A_303] : memref<32768xf32, #tpu.memory_space<vmem>>[vector<16xi32>], vector<16xf32>,
      %le3A_305 = arith.cmpf ole, %gather3A_304, %get3A_248 : vector<16xf32>
      %jit3A_306 = arith.constant 2 : i32
      %jit3A_307 = arith.constant 0 : i32
      %broadcast_in_dim3A_308 = vector.broadcast %jit3A_306 : i32 to vector<16xi32>
      %broadcast_in_dim3A_309 = vector.broadcast %jit3A_307 : i32 to vector<16xi32>
      %select_n3A_310 = arith.select %le3A_305, %broadcast_in_dim3A_308, %broadcast_in_dim3A_309 : vector<16xi1>, vector<16xi32>
      %add3A_311 = arith.addi %add3A_299, %select_n3A_310 : vector<16xi32>
      %add3A_312 = arith.addi %mul3A_46, %add3A_311 : vector<16xi32>
      %add3A_313 = arith.constant 0 : i32
      %add3A_314 = vector.broadcast %add3A_313 : i32 to vector<16xi32>
      %add3A_315 = arith.addi %add3A_312, %add3A_314 : vector<16xi32>
      %gather3A_316 = tpu.vector_load_idx %arg10[%add3A_315] : memref<32768xf32, #tpu.memory_space<vmem>>[vector<16xi32>], vector<16xf32>,
      %le3A_317 = arith.cmpf ole, %gather3A_316, %get3A_248 : vector<16xf32>
      %jit3A_318 = arith.constant 1 : i32
      %jit3A_319 = arith.constant 0 : i32
      %broadcast_in_dim3A_320 = vector.broadcast %jit3A_318 : i32 to vector<16xi32>
      %broadcast_in_dim3A_321 = vector.broadcast %jit3A_319 : i32 to vector<16xi32>
      %select_n3A_322 = arith.select %le3A_317, %broadcast_in_dim3A_320, %broadcast_in_dim3A_321 : vector<16xi1>, vector<16xi32>
      %add3A_323 = arith.addi %add3A_311, %select_n3A_322 : vector<16xi32>
      %jit3A_324 = arith.constant 0 : i32
      %broadcast_in_dim3A_325 = vector.broadcast %jit3A_324 : i32 to vector<16xi32>
      %select_n3A_326 = arith.select %le3A_249, %broadcast_in_dim3A_325, %add3A_323 : vector<16xi1>, vector<16xi32>
      %ge3A_327 = arith.constant 3 : i32
      %ge3A_328 = vector.broadcast %ge3A_327 : i32 to vector<16xi32>
      %ge3A_329 = arith.cmpi sge, %get3A_41, %ge3A_328 : vector<16xi32>
      %convert_element_type3A_330 = arith.extui %ge3A_329 : vector<16xi1> to vector<16xi32>
      %broadcast_in_dim3A_331 = arith.constant 1 : i32
      %broadcast_in_dim3A_332 = vector.broadcast %broadcast_in_dim3A_331 : i32 to vector<16xi32>
      %eq3A_333 = arith.cmpi eq, %select_n3A_128, %select_n3A_326 : vector<16xi32>
      %jit3A_334 = arith.constant 0 : i32
      %broadcast_in_dim3A_335 = vector.broadcast %jit3A_334 : i32 to vector<16xi32>
      %select_n3A_336 = arith.select %eq3A_333, %convert_element_type3A, %broadcast_in_dim3A_335 : vector<16xi1>, vector<16xi32>
      %add3A_337 = arith.addi %broadcast_in_dim3A_332, %select_n3A_336 : vector<16xi32>
      %eq3A_338 = arith.cmpi eq, %select_n3A_223, %select_n3A_326 : vector<16xi32>
      %jit3A_339 = arith.constant 0 : i32
      %broadcast_in_dim3A_340 = vector.broadcast %jit3A_339 : i32 to vector<16xi32>
      %select_n3A_341 = arith.select %eq3A_338, %convert_element_type3A_227, %broadcast_in_dim3A_340 : vector<16xi1>, vector<16xi32>
      %add3A_342 = arith.addi %add3A_337, %select_n3A_341 : vector<16xi32>
      %add3A_343 = arith.addi %mul3A_46, %select_n3A_326 : vector<16xi32>
      %gather3A_344 = tpu.vector_load_idx %arg11[%add3A_343] : memref<32768xf32, #tpu.memory_space<vmem>>[vector<16xi32>], vector<16xf32>,
      %gather3A_345 = tpu.vector_load_idx %arg15[%add3A_342] : memref<8xf32, #tpu.memory_space<vmem>>[vector<16xi32>], vector<16xf32>,
      %convert_element_type3A_346 = arith.sitofp %convert_element_type3A_330 : vector<16xi32> to vector<16xf32>
      %sub3A_347 = arith.subf %gather3A_344, %gather3A_345 : vector<16xf32>
      %mul3A_348 = arith.mulf %convert_element_type3A_346, %sub3A_347 : vector<16xf32>
      %add3A_349 = arith.addf %add3A_240, %mul3A_348 : vector<16xf32>
      %add3A_350 = arith.constant 1024 : i32
      %add3A_351 = arith.addi %add3A_350, %mul3A_40 : i32
      %swap3A_352 = arith.index_cast %add3A_351 : i32 to index
      %swap3A_353 = tpu.vector_load %arg16[%swap3A_352] {strides = array<i32>} : memref<3072xi32, #tpu.memory_space<vmem>>, vector<16xi32>,
      tpu.vector_store %arg16[%swap3A_352], %select_n3A_326 {strides = array<i32>} : memref<3072xi32, #tpu.memory_space<vmem>>, vector<16xi32>,
      %add3A_354 = arith.constant 1536 : i32
      %add3A_355 = arith.addi %add3A_354, %mul3A_40 : i32
      %get3A_356 = arith.index_cast %add3A_355 : i32 to index
      %get3A_357 = tpu.vector_load %arg12[%get3A_356] {strides = array<i32>} : memref<3072xf32, #tpu.memory_space<vmem>>, vector<16xf32>,
      %le3A_358 = arith.cmpf ole, %gather3A, %get3A_357 : vector<16xf32>
      %broadcast_in_dim3A_359 = arith.constant 0 : i32
      %broadcast_in_dim3A_360 = vector.broadcast %broadcast_in_dim3A_359 : i32 to vector<16xi32>
      %add3A_361 = arith.addi %mul3A_46, %broadcast_in_dim3A_360 : vector<16xi32>
      %add3A_362 = arith.constant 31 : i32
      %add3A_363 = vector.broadcast %add3A_362 : i32 to vector<16xi32>
      %add3A_364 = arith.addi %add3A_361, %add3A_363 : vector<16xi32>
      %gather3A_365 = tpu.vector_load_idx %arg10[%add3A_364] : memref<32768xf32, #tpu.memory_space<vmem>>[vector<16xi32>], vector<16xf32>,
      %le3A_366 = arith.cmpf ole, %gather3A_365, %get3A_357 : vector<16xf32>
      %jit3A_367 = arith.constant 32 : i32
      %jit3A_368 = arith.constant 0 : i32
      %broadcast_in_dim3A_369 = vector.broadcast %jit3A_367 : i32 to vector<16xi32>
      %broadcast_in_dim3A_370 = vector.broadcast %jit3A_368 : i32 to vector<16xi32>
      %select_n3A_371 = arith.select %le3A_366, %broadcast_in_dim3A_369, %broadcast_in_dim3A_370 : vector<16xi1>, vector<16xi32>
      %add3A_372 = arith.addi %broadcast_in_dim3A_360, %select_n3A_371 : vector<16xi32>
      %add3A_373 = arith.addi %mul3A_46, %add3A_372 : vector<16xi32>
      %add3A_374 = arith.constant 15 : i32
      %add3A_375 = vector.broadcast %add3A_374 : i32 to vector<16xi32>
      %add3A_376 = arith.addi %add3A_373, %add3A_375 : vector<16xi32>
      %gather3A_377 = tpu.vector_load_idx %arg10[%add3A_376] : memref<32768xf32, #tpu.memory_space<vmem>>[vector<16xi32>], vector<16xf32>,
      %le3A_378 = arith.cmpf ole, %gather3A_377, %get3A_357 : vector<16xf32>
      %jit3A_379 = arith.constant 16 : i32
      %jit3A_380 = arith.constant 0 : i32
      %broadcast_in_dim3A_381 = vector.broadcast %jit3A_379 : i32 to vector<16xi32>
      %broadcast_in_dim3A_382 = vector.broadcast %jit3A_380 : i32 to vector<16xi32>
      %select_n3A_383 = arith.select %le3A_378, %broadcast_in_dim3A_381, %broadcast_in_dim3A_382 : vector<16xi1>, vector<16xi32>
      %add3A_384 = arith.addi %add3A_372, %select_n3A_383 : vector<16xi32>
      %add3A_385 = arith.addi %mul3A_46, %add3A_384 : vector<16xi32>
      %add3A_386 = arith.constant 7 : i32
      %add3A_387 = vector.broadcast %add3A_386 : i32 to vector<16xi32>
      %add3A_388 = arith.addi %add3A_385, %add3A_387 : vector<16xi32>
      %gather3A_389 = tpu.vector_load_idx %arg10[%add3A_388] : memref<32768xf32, #tpu.memory_space<vmem>>[vector<16xi32>], vector<16xf32>,
      %le3A_390 = arith.cmpf ole, %gather3A_389, %get3A_357 : vector<16xf32>
      %jit3A_391 = arith.constant 8 : i32
      %jit3A_392 = arith.constant 0 : i32
      %broadcast_in_dim3A_393 = vector.broadcast %jit3A_391 : i32 to vector<16xi32>
      %broadcast_in_dim3A_394 = vector.broadcast %jit3A_392 : i32 to vector<16xi32>
      %select_n3A_395 = arith.select %le3A_390, %broadcast_in_dim3A_393, %broadcast_in_dim3A_394 : vector<16xi1>, vector<16xi32>
      %add3A_396 = arith.addi %add3A_384, %select_n3A_395 : vector<16xi32>
      %add3A_397 = arith.addi %mul3A_46, %add3A_396 : vector<16xi32>
      %add3A_398 = arith.constant 3 : i32
      %add3A_399 = vector.broadcast %add3A_398 : i32 to vector<16xi32>
      %add3A_400 = arith.addi %add3A_397, %add3A_399 : vector<16xi32>
      %gather3A_401 = tpu.vector_load_idx %arg10[%add3A_400] : memref<32768xf32, #tpu.memory_space<vmem>>[vector<16xi32>], vector<16xf32>,
      %le3A_402 = arith.cmpf ole, %gather3A_401, %get3A_357 : vector<16xf32>
      %jit3A_403 = arith.constant 4 : i32
      %jit3A_404 = arith.constant 0 : i32
      %broadcast_in_dim3A_405 = vector.broadcast %jit3A_403 : i32 to vector<16xi32>
      %broadcast_in_dim3A_406 = vector.broadcast %jit3A_404 : i32 to vector<16xi32>
      %select_n3A_407 = arith.select %le3A_402, %broadcast_in_dim3A_405, %broadcast_in_dim3A_406 : vector<16xi1>, vector<16xi32>
      %add3A_408 = arith.addi %add3A_396, %select_n3A_407 : vector<16xi32>
      %add3A_409 = arith.addi %mul3A_46, %add3A_408 : vector<16xi32>
      %add3A_410 = arith.constant 1 : i32
      %add3A_411 = vector.broadcast %add3A_410 : i32 to vector<16xi32>
      %add3A_412 = arith.addi %add3A_409, %add3A_411 : vector<16xi32>
      %gather3A_413 = tpu.vector_load_idx %arg10[%add3A_412] : memref<32768xf32, #tpu.memory_space<vmem>>[vector<16xi32>], vector<16xf32>,
      %le3A_414 = arith.cmpf ole, %gather3A_413, %get3A_357 : vector<16xf32>
      %jit3A_415 = arith.constant 2 : i32
      %jit3A_416 = arith.constant 0 : i32
      %broadcast_in_dim3A_417 = vector.broadcast %jit3A_415 : i32 to vector<16xi32>
      %broadcast_in_dim3A_418 = vector.broadcast %jit3A_416 : i32 to vector<16xi32>
      %select_n3A_419 = arith.select %le3A_414, %broadcast_in_dim3A_417, %broadcast_in_dim3A_418 : vector<16xi1>, vector<16xi32>
      %add3A_420 = arith.addi %add3A_408, %select_n3A_419 : vector<16xi32>
      %add3A_421 = arith.addi %mul3A_46, %add3A_420 : vector<16xi32>
      %add3A_422 = arith.constant 0 : i32
      %add3A_423 = vector.broadcast %add3A_422 : i32 to vector<16xi32>
      %add3A_424 = arith.addi %add3A_421, %add3A_423 : vector<16xi32>
      %gather3A_425 = tpu.vector_load_idx %arg10[%add3A_424] : memref<32768xf32, #tpu.memory_space<vmem>>[vector<16xi32>], vector<16xf32>,
      %le3A_426 = arith.cmpf ole, %gather3A_425, %get3A_357 : vector<16xf32>
      %jit3A_427 = arith.constant 1 : i32
      %jit3A_428 = arith.constant 0 : i32
      %broadcast_in_dim3A_429 = vector.broadcast %jit3A_427 : i32 to vector<16xi32>
      %broadcast_in_dim3A_430 = vector.broadcast %jit3A_428 : i32 to vector<16xi32>
      %select_n3A_431 = arith.select %le3A_426, %broadcast_in_dim3A_429, %broadcast_in_dim3A_430 : vector<16xi1>, vector<16xi32>
      %add3A_432 = arith.addi %add3A_420, %select_n3A_431 : vector<16xi32>
      %jit3A_433 = arith.constant 0 : i32
      %broadcast_in_dim3A_434 = vector.broadcast %jit3A_433 : i32 to vector<16xi32>
      %select_n3A_435 = arith.select %le3A_358, %broadcast_in_dim3A_434, %add3A_432 : vector<16xi1>, vector<16xi32>
      %ge3A_436 = arith.constant 4 : i32
      %ge3A_437 = vector.broadcast %ge3A_436 : i32 to vector<16xi32>
      %ge3A_438 = arith.cmpi sge, %get3A_41, %ge3A_437 : vector<16xi32>
      %convert_element_type3A_439 = arith.extui %ge3A_438 : vector<16xi1> to vector<16xi32>
      %broadcast_in_dim3A_440 = arith.constant 1 : i32
      %broadcast_in_dim3A_441 = vector.broadcast %broadcast_in_dim3A_440 : i32 to vector<16xi32>
      %eq3A_442 = arith.cmpi eq, %select_n3A_128, %select_n3A_435 : vector<16xi32>
      %jit3A_443 = arith.constant 0 : i32
      %broadcast_in_dim3A_444 = vector.broadcast %jit3A_443 : i32 to vector<16xi32>
      %select_n3A_445 = arith.select %eq3A_442, %convert_element_type3A, %broadcast_in_dim3A_444 : vector<16xi1>, vector<16xi32>
      %add3A_446 = arith.addi %broadcast_in_dim3A_441, %select_n3A_445 : vector<16xi32>
      %eq3A_447 = arith.cmpi eq, %select_n3A_223, %select_n3A_435 : vector<16xi32>
      %jit3A_448 = arith.constant 0 : i32
      %broadcast_in_dim3A_449 = vector.broadcast %jit3A_448 : i32 to vector<16xi32>
      %select_n3A_450 = arith.select %eq3A_447, %convert_element_type3A_227, %broadcast_in_dim3A_449 : vector<16xi1>, vector<16xi32>
      %add3A_451 = arith.addi %add3A_446, %select_n3A_450 : vector<16xi32>
      %eq3A_452 = arith.cmpi eq, %select_n3A_326, %select_n3A_435 : vector<16xi32>
      %jit3A_453 = arith.constant 0 : i32
      %broadcast_in_dim3A_454 = vector.broadcast %jit3A_453 : i32 to vector<16xi32>
      %select_n3A_455 = arith.select %eq3A_452, %convert_element_type3A_330, %broadcast_in_dim3A_454 : vector<16xi1>, vector<16xi32>
      %add3A_456 = arith.addi %add3A_451, %select_n3A_455 : vector<16xi32>
      %add3A_457 = arith.addi %mul3A_46, %select_n3A_435 : vector<16xi32>
      %gather3A_458 = tpu.vector_load_idx %arg11[%add3A_457] : memref<32768xf32, #tpu.memory_space<vmem>>[vector<16xi32>], vector<16xf32>,
      %gather3A_459 = tpu.vector_load_idx %arg15[%add3A_456] : memref<8xf32, #tpu.memory_space<vmem>>[vector<16xi32>], vector<16xf32>,
      %convert_element_type3A_460 = arith.sitofp %convert_element_type3A_439 : vector<16xi32> to vector<16xf32>
      %sub3A_461 = arith.subf %gather3A_458, %gather3A_459 : vector<16xf32>
      %mul3A_462 = arith.mulf %convert_element_type3A_460, %sub3A_461 : vector<16xf32>
      %add3A_463 = arith.addf %add3A_349, %mul3A_462 : vector<16xf32>
      %add3A_464 = arith.constant 1536 : i32
      %add3A_465 = arith.addi %add3A_464, %mul3A_40 : i32
      %swap3A_466 = arith.index_cast %add3A_465 : i32 to index
      %swap3A_467 = tpu.vector_load %arg16[%swap3A_466] {strides = array<i32>} : memref<3072xi32, #tpu.memory_space<vmem>>, vector<16xi32>,
      tpu.vector_store %arg16[%swap3A_466], %select_n3A_435 {strides = array<i32>} : memref<3072xi32, #tpu.memory_space<vmem>>, vector<16xi32>,
      %add3A_468 = arith.constant 2048 : i32
      %add3A_469 = arith.addi %add3A_468, %mul3A_40 : i32
      %get3A_470 = arith.index_cast %add3A_469 : i32 to index
      %get3A_471 = tpu.vector_load %arg12[%get3A_470] {strides = array<i32>} : memref<3072xf32, #tpu.memory_space<vmem>>, vector<16xf32>,
      %le3A_472 = arith.cmpf ole, %gather3A, %get3A_471 : vector<16xf32>
      %broadcast_in_dim3A_473 = arith.constant 0 : i32
      %broadcast_in_dim3A_474 = vector.broadcast %broadcast_in_dim3A_473 : i32 to vector<16xi32>
      %add3A_475 = arith.addi %mul3A_46, %broadcast_in_dim3A_474 : vector<16xi32>
      %add3A_476 = arith.constant 31 : i32
      %add3A_477 = vector.broadcast %add3A_476 : i32 to vector<16xi32>
      %add3A_478 = arith.addi %add3A_475, %add3A_477 : vector<16xi32>
      %gather3A_479 = tpu.vector_load_idx %arg10[%add3A_478] : memref<32768xf32, #tpu.memory_space<vmem>>[vector<16xi32>], vector<16xf32>,
      %le3A_480 = arith.cmpf ole, %gather3A_479, %get3A_471 : vector<16xf32>
      %jit3A_481 = arith.constant 32 : i32
      %jit3A_482 = arith.constant 0 : i32
      %broadcast_in_dim3A_483 = vector.broadcast %jit3A_481 : i32 to vector<16xi32>
      %broadcast_in_dim3A_484 = vector.broadcast %jit3A_482 : i32 to vector<16xi32>
      %select_n3A_485 = arith.select %le3A_480, %broadcast_in_dim3A_483, %broadcast_in_dim3A_484 : vector<16xi1>, vector<16xi32>
      %add3A_486 = arith.addi %broadcast_in_dim3A_474, %select_n3A_485 : vector<16xi32>
      %add3A_487 = arith.addi %mul3A_46, %add3A_486 : vector<16xi32>
      %add3A_488 = arith.constant 15 : i32
      %add3A_489 = vector.broadcast %add3A_488 : i32 to vector<16xi32>
      %add3A_490 = arith.addi %add3A_487, %add3A_489 : vector<16xi32>
      %gather3A_491 = tpu.vector_load_idx %arg10[%add3A_490] : memref<32768xf32, #tpu.memory_space<vmem>>[vector<16xi32>], vector<16xf32>,
      %le3A_492 = arith.cmpf ole, %gather3A_491, %get3A_471 : vector<16xf32>
      %jit3A_493 = arith.constant 16 : i32
      %jit3A_494 = arith.constant 0 : i32
      %broadcast_in_dim3A_495 = vector.broadcast %jit3A_493 : i32 to vector<16xi32>
      %broadcast_in_dim3A_496 = vector.broadcast %jit3A_494 : i32 to vector<16xi32>
      %select_n3A_497 = arith.select %le3A_492, %broadcast_in_dim3A_495, %broadcast_in_dim3A_496 : vector<16xi1>, vector<16xi32>
      %add3A_498 = arith.addi %add3A_486, %select_n3A_497 : vector<16xi32>
      %add3A_499 = arith.addi %mul3A_46, %add3A_498 : vector<16xi32>
      %add3A_500 = arith.constant 7 : i32
      %add3A_501 = vector.broadcast %add3A_500 : i32 to vector<16xi32>
      %add3A_502 = arith.addi %add3A_499, %add3A_501 : vector<16xi32>
      %gather3A_503 = tpu.vector_load_idx %arg10[%add3A_502] : memref<32768xf32, #tpu.memory_space<vmem>>[vector<16xi32>], vector<16xf32>,
      %le3A_504 = arith.cmpf ole, %gather3A_503, %get3A_471 : vector<16xf32>
      %jit3A_505 = arith.constant 8 : i32
      %jit3A_506 = arith.constant 0 : i32
      %broadcast_in_dim3A_507 = vector.broadcast %jit3A_505 : i32 to vector<16xi32>
      %broadcast_in_dim3A_508 = vector.broadcast %jit3A_506 : i32 to vector<16xi32>
      %select_n3A_509 = arith.select %le3A_504, %broadcast_in_dim3A_507, %broadcast_in_dim3A_508 : vector<16xi1>, vector<16xi32>
      %add3A_510 = arith.addi %add3A_498, %select_n3A_509 : vector<16xi32>
      %add3A_511 = arith.addi %mul3A_46, %add3A_510 : vector<16xi32>
      %add3A_512 = arith.constant 3 : i32
      %add3A_513 = vector.broadcast %add3A_512 : i32 to vector<16xi32>
      %add3A_514 = arith.addi %add3A_511, %add3A_513 : vector<16xi32>
      %gather3A_515 = tpu.vector_load_idx %arg10[%add3A_514] : memref<32768xf32, #tpu.memory_space<vmem>>[vector<16xi32>], vector<16xf32>,
      %le3A_516 = arith.cmpf ole, %gather3A_515, %get3A_471 : vector<16xf32>
      %jit3A_517 = arith.constant 4 : i32
      %jit3A_518 = arith.constant 0 : i32
      %broadcast_in_dim3A_519 = vector.broadcast %jit3A_517 : i32 to vector<16xi32>
      %broadcast_in_dim3A_520 = vector.broadcast %jit3A_518 : i32 to vector<16xi32>
      %select_n3A_521 = arith.select %le3A_516, %broadcast_in_dim3A_519, %broadcast_in_dim3A_520 : vector<16xi1>, vector<16xi32>
      %add3A_522 = arith.addi %add3A_510, %select_n3A_521 : vector<16xi32>
      %add3A_523 = arith.addi %mul3A_46, %add3A_522 : vector<16xi32>
      %add3A_524 = arith.constant 1 : i32
      %add3A_525 = vector.broadcast %add3A_524 : i32 to vector<16xi32>
      %add3A_526 = arith.addi %add3A_523, %add3A_525 : vector<16xi32>
      %gather3A_527 = tpu.vector_load_idx %arg10[%add3A_526] : memref<32768xf32, #tpu.memory_space<vmem>>[vector<16xi32>], vector<16xf32>,
      %le3A_528 = arith.cmpf ole, %gather3A_527, %get3A_471 : vector<16xf32>
      %jit3A_529 = arith.constant 2 : i32
      %jit3A_530 = arith.constant 0 : i32
      %broadcast_in_dim3A_531 = vector.broadcast %jit3A_529 : i32 to vector<16xi32>
      %broadcast_in_dim3A_532 = vector.broadcast %jit3A_530 : i32 to vector<16xi32>
      %select_n3A_533 = arith.select %le3A_528, %broadcast_in_dim3A_531, %broadcast_in_dim3A_532 : vector<16xi1>, vector<16xi32>
      %add3A_534 = arith.addi %add3A_522, %select_n3A_533 : vector<16xi32>
      %add3A_535 = arith.addi %mul3A_46, %add3A_534 : vector<16xi32>
      %add3A_536 = arith.constant 0 : i32
      %add3A_537 = vector.broadcast %add3A_536 : i32 to vector<16xi32>
      %add3A_538 = arith.addi %add3A_535, %add3A_537 : vector<16xi32>
      %gather3A_539 = tpu.vector_load_idx %arg10[%add3A_538] : memref<32768xf32, #tpu.memory_space<vmem>>[vector<16xi32>], vector<16xf32>,
      %le3A_540 = arith.cmpf ole, %gather3A_539, %get3A_471 : vector<16xf32>
      %jit3A_541 = arith.constant 1 : i32
      %jit3A_542 = arith.constant 0 : i32
      %broadcast_in_dim3A_543 = vector.broadcast %jit3A_541 : i32 to vector<16xi32>
      %broadcast_in_dim3A_544 = vector.broadcast %jit3A_542 : i32 to vector<16xi32>
      %select_n3A_545 = arith.select %le3A_540, %broadcast_in_dim3A_543, %broadcast_in_dim3A_544 : vector<16xi1>, vector<16xi32>
      %add3A_546 = arith.addi %add3A_534, %select_n3A_545 : vector<16xi32>
      %jit3A_547 = arith.constant 0 : i32
      %broadcast_in_dim3A_548 = vector.broadcast %jit3A_547 : i32 to vector<16xi32>
      %select_n3A_549 = arith.select %le3A_472, %broadcast_in_dim3A_548, %add3A_546 : vector<16xi1>, vector<16xi32>
      %ge3A_550 = arith.constant 5 : i32
      %ge3A_551 = vector.broadcast %ge3A_550 : i32 to vector<16xi32>
      %ge3A_552 = arith.cmpi sge, %get3A_41, %ge3A_551 : vector<16xi32>
      %convert_element_type3A_553 = arith.extui %ge3A_552 : vector<16xi1> to vector<16xi32>
      %broadcast_in_dim3A_554 = arith.constant 1 : i32
      %broadcast_in_dim3A_555 = vector.broadcast %broadcast_in_dim3A_554 : i32 to vector<16xi32>
      %eq3A_556 = arith.cmpi eq, %select_n3A_128, %select_n3A_549 : vector<16xi32>
      %jit3A_557 = arith.constant 0 : i32
      %broadcast_in_dim3A_558 = vector.broadcast %jit3A_557 : i32 to vector<16xi32>
      %select_n3A_559 = arith.select %eq3A_556, %convert_element_type3A, %broadcast_in_dim3A_558 : vector<16xi1>, vector<16xi32>
      %add3A_560 = arith.addi %broadcast_in_dim3A_555, %select_n3A_559 : vector<16xi32>
      %eq3A_561 = arith.cmpi eq, %select_n3A_223, %select_n3A_549 : vector<16xi32>
      %jit3A_562 = arith.constant 0 : i32
      %broadcast_in_dim3A_563 = vector.broadcast %jit3A_562 : i32 to vector<16xi32>
      %select_n3A_564 = arith.select %eq3A_561, %convert_element_type3A_227, %broadcast_in_dim3A_563 : vector<16xi1>, vector<16xi32>
      %add3A_565 = arith.addi %add3A_560, %select_n3A_564 : vector<16xi32>
      %eq3A_566 = arith.cmpi eq, %select_n3A_326, %select_n3A_549 : vector<16xi32>
      %jit3A_567 = arith.constant 0 : i32
      %broadcast_in_dim3A_568 = vector.broadcast %jit3A_567 : i32 to vector<16xi32>
      %select_n3A_569 = arith.select %eq3A_566, %convert_element_type3A_330, %broadcast_in_dim3A_568 : vector<16xi1>, vector<16xi32>
      %add3A_570 = arith.addi %add3A_565, %select_n3A_569 : vector<16xi32>
      %eq3A_571 = arith.cmpi eq, %select_n3A_435, %select_n3A_549 : vector<16xi32>
      %jit3A_572 = arith.constant 0 : i32
      %broadcast_in_dim3A_573 = vector.broadcast %jit3A_572 : i32 to vector<16xi32>
      %select_n3A_574 = arith.select %eq3A_571, %convert_element_type3A_439, %broadcast_in_dim3A_573 : vector<16xi1>, vector<16xi32>
      %add3A_575 = arith.addi %add3A_570, %select_n3A_574 : vector<16xi32>
      %add3A_576 = arith.addi %mul3A_46, %select_n3A_549 : vector<16xi32>
      %gather3A_577 = tpu.vector_load_idx %arg11[%add3A_576] : memref<32768xf32, #tpu.memory_space<vmem>>[vector<16xi32>], vector<16xf32>,
      %gather3A_578 = tpu.vector_load_idx %arg15[%add3A_575] : memref<8xf32, #tpu.memory_space<vmem>>[vector<16xi32>], vector<16xf32>,
      %convert_element_type3A_579 = arith.sitofp %convert_element_type3A_553 : vector<16xi32> to vector<16xf32>
      %sub3A_580 = arith.subf %gather3A_577, %gather3A_578 : vector<16xf32>
      %mul3A_581 = arith.mulf %convert_element_type3A_579, %sub3A_580 : vector<16xf32>
      %add3A_582 = arith.addf %add3A_463, %mul3A_581 : vector<16xf32>
      %add3A_583 = arith.constant 2048 : i32
      %add3A_584 = arith.addi %add3A_583, %mul3A_40 : i32
      %swap3A_585 = arith.index_cast %add3A_584 : i32 to index
      %swap3A_586 = tpu.vector_load %arg16[%swap3A_585] {strides = array<i32>} : memref<3072xi32, #tpu.memory_space<vmem>>, vector<16xi32>,
      tpu.vector_store %arg16[%swap3A_585], %select_n3A_549 {strides = array<i32>} : memref<3072xi32, #tpu.memory_space<vmem>>, vector<16xi32>,
      %add3A_587 = arith.constant 2560 : i32
      %add3A_588 = arith.addi %add3A_587, %mul3A_40 : i32
      %get3A_589 = arith.index_cast %add3A_588 : i32 to index
      %get3A_590 = tpu.vector_load %arg12[%get3A_589] {strides = array<i32>} : memref<3072xf32, #tpu.memory_space<vmem>>, vector<16xf32>,
      %le3A_591 = arith.cmpf ole, %gather3A, %get3A_590 : vector<16xf32>
      %broadcast_in_dim3A_592 = arith.constant 0 : i32
      %broadcast_in_dim3A_593 = vector.broadcast %broadcast_in_dim3A_592 : i32 to vector<16xi32>
      %add3A_594 = arith.addi %mul3A_46, %broadcast_in_dim3A_593 : vector<16xi32>
      %add3A_595 = arith.constant 31 : i32
      %add3A_596 = vector.broadcast %add3A_595 : i32 to vector<16xi32>
      %add3A_597 = arith.addi %add3A_594, %add3A_596 : vector<16xi32>
      %gather3A_598 = tpu.vector_load_idx %arg10[%add3A_597] : memref<32768xf32, #tpu.memory_space<vmem>>[vector<16xi32>], vector<16xf32>,
      %le3A_599 = arith.cmpf ole, %gather3A_598, %get3A_590 : vector<16xf32>
      %jit3A_600 = arith.constant 32 : i32
      %jit3A_601 = arith.constant 0 : i32
      %broadcast_in_dim3A_602 = vector.broadcast %jit3A_600 : i32 to vector<16xi32>
      %broadcast_in_dim3A_603 = vector.broadcast %jit3A_601 : i32 to vector<16xi32>
      %select_n3A_604 = arith.select %le3A_599, %broadcast_in_dim3A_602, %broadcast_in_dim3A_603 : vector<16xi1>, vector<16xi32>
      %add3A_605 = arith.addi %broadcast_in_dim3A_593, %select_n3A_604 : vector<16xi32>
      %add3A_606 = arith.addi %mul3A_46, %add3A_605 : vector<16xi32>
      %add3A_607 = arith.constant 15 : i32
      %add3A_608 = vector.broadcast %add3A_607 : i32 to vector<16xi32>
      %add3A_609 = arith.addi %add3A_606, %add3A_608 : vector<16xi32>
      %gather3A_610 = tpu.vector_load_idx %arg10[%add3A_609] : memref<32768xf32, #tpu.memory_space<vmem>>[vector<16xi32>], vector<16xf32>,
      %le3A_611 = arith.cmpf ole, %gather3A_610, %get3A_590 : vector<16xf32>
      %jit3A_612 = arith.constant 16 : i32
      %jit3A_613 = arith.constant 0 : i32
      %broadcast_in_dim3A_614 = vector.broadcast %jit3A_612 : i32 to vector<16xi32>
      %broadcast_in_dim3A_615 = vector.broadcast %jit3A_613 : i32 to vector<16xi32>
      %select_n3A_616 = arith.select %le3A_611, %broadcast_in_dim3A_614, %broadcast_in_dim3A_615 : vector<16xi1>, vector<16xi32>
      %add3A_617 = arith.addi %add3A_605, %select_n3A_616 : vector<16xi32>
      %add3A_618 = arith.addi %mul3A_46, %add3A_617 : vector<16xi32>
      %add3A_619 = arith.constant 7 : i32
      %add3A_620 = vector.broadcast %add3A_619 : i32 to vector<16xi32>
      %add3A_621 = arith.addi %add3A_618, %add3A_620 : vector<16xi32>
      %gather3A_622 = tpu.vector_load_idx %arg10[%add3A_621] : memref<32768xf32, #tpu.memory_space<vmem>>[vector<16xi32>], vector<16xf32>,
      %le3A_623 = arith.cmpf ole, %gather3A_622, %get3A_590 : vector<16xf32>
      %jit3A_624 = arith.constant 8 : i32
      %jit3A_625 = arith.constant 0 : i32
      %broadcast_in_dim3A_626 = vector.broadcast %jit3A_624 : i32 to vector<16xi32>
      %broadcast_in_dim3A_627 = vector.broadcast %jit3A_625 : i32 to vector<16xi32>
      %select_n3A_628 = arith.select %le3A_623, %broadcast_in_dim3A_626, %broadcast_in_dim3A_627 : vector<16xi1>, vector<16xi32>
      %add3A_629 = arith.addi %add3A_617, %select_n3A_628 : vector<16xi32>
      %add3A_630 = arith.addi %mul3A_46, %add3A_629 : vector<16xi32>
      %add3A_631 = arith.constant 3 : i32
      %add3A_632 = vector.broadcast %add3A_631 : i32 to vector<16xi32>
      %add3A_633 = arith.addi %add3A_630, %add3A_632 : vector<16xi32>
      %gather3A_634 = tpu.vector_load_idx %arg10[%add3A_633] : memref<32768xf32, #tpu.memory_space<vmem>>[vector<16xi32>], vector<16xf32>,
      %le3A_635 = arith.cmpf ole, %gather3A_634, %get3A_590 : vector<16xf32>
      %jit3A_636 = arith.constant 4 : i32
      %jit3A_637 = arith.constant 0 : i32
      %broadcast_in_dim3A_638 = vector.broadcast %jit3A_636 : i32 to vector<16xi32>
      %broadcast_in_dim3A_639 = vector.broadcast %jit3A_637 : i32 to vector<16xi32>
      %select_n3A_640 = arith.select %le3A_635, %broadcast_in_dim3A_638, %broadcast_in_dim3A_639 : vector<16xi1>, vector<16xi32>
      %add3A_641 = arith.addi %add3A_629, %select_n3A_640 : vector<16xi32>
      %add3A_642 = arith.addi %mul3A_46, %add3A_641 : vector<16xi32>
      %add3A_643 = arith.constant 1 : i32
      %add3A_644 = vector.broadcast %add3A_643 : i32 to vector<16xi32>
      %add3A_645 = arith.addi %add3A_642, %add3A_644 : vector<16xi32>
      %gather3A_646 = tpu.vector_load_idx %arg10[%add3A_645] : memref<32768xf32, #tpu.memory_space<vmem>>[vector<16xi32>], vector<16xf32>,
      %le3A_647 = arith.cmpf ole, %gather3A_646, %get3A_590 : vector<16xf32>
      %jit3A_648 = arith.constant 2 : i32
      %jit3A_649 = arith.constant 0 : i32
      %broadcast_in_dim3A_650 = vector.broadcast %jit3A_648 : i32 to vector<16xi32>
      %broadcast_in_dim3A_651 = vector.broadcast %jit3A_649 : i32 to vector<16xi32>
      %select_n3A_652 = arith.select %le3A_647, %broadcast_in_dim3A_650, %broadcast_in_dim3A_651 : vector<16xi1>, vector<16xi32>
      %add3A_653 = arith.addi %add3A_641, %select_n3A_652 : vector<16xi32>
      %add3A_654 = arith.addi %mul3A_46, %add3A_653 : vector<16xi32>
      %add3A_655 = arith.constant 0 : i32
      %add3A_656 = vector.broadcast %add3A_655 : i32 to vector<16xi32>
      %add3A_657 = arith.addi %add3A_654, %add3A_656 : vector<16xi32>
      %gather3A_658 = tpu.vector_load_idx %arg10[%add3A_657] : memref<32768xf32, #tpu.memory_space<vmem>>[vector<16xi32>], vector<16xf32>,
      %le3A_659 = arith.cmpf ole, %gather3A_658, %get3A_590 : vector<16xf32>
      %jit3A_660 = arith.constant 1 : i32
      %jit3A_661 = arith.constant 0 : i32
      %broadcast_in_dim3A_662 = vector.broadcast %jit3A_660 : i32 to vector<16xi32>
      %broadcast_in_dim3A_663 = vector.broadcast %jit3A_661 : i32 to vector<16xi32>
      %select_n3A_664 = arith.select %le3A_659, %broadcast_in_dim3A_662, %broadcast_in_dim3A_663 : vector<16xi1>, vector<16xi32>
      %add3A_665 = arith.addi %add3A_653, %select_n3A_664 : vector<16xi32>
      %jit3A_666 = arith.constant 0 : i32
      %broadcast_in_dim3A_667 = vector.broadcast %jit3A_666 : i32 to vector<16xi32>
      %select_n3A_668 = arith.select %le3A_591, %broadcast_in_dim3A_667, %add3A_665 : vector<16xi1>, vector<16xi32>
      %ge3A_669 = arith.constant 6 : i32
      %ge3A_670 = vector.broadcast %ge3A_669 : i32 to vector<16xi32>
      %ge3A_671 = arith.cmpi sge, %get3A_41, %ge3A_670 : vector<16xi32>
      %convert_element_type3A_672 = arith.extui %ge3A_671 : vector<16xi1> to vector<16xi32>
      %broadcast_in_dim3A_673 = arith.constant 1 : i32
      %broadcast_in_dim3A_674 = vector.broadcast %broadcast_in_dim3A_673 : i32 to vector<16xi32>
      %eq3A_675 = arith.cmpi eq, %select_n3A_128, %select_n3A_668 : vector<16xi32>
      %jit3A_676 = arith.constant 0 : i32
      %broadcast_in_dim3A_677 = vector.broadcast %jit3A_676 : i32 to vector<16xi32>
      %select_n3A_678 = arith.select %eq3A_675, %convert_element_type3A, %broadcast_in_dim3A_677 : vector<16xi1>, vector<16xi32>
      %add3A_679 = arith.addi %broadcast_in_dim3A_674, %select_n3A_678 : vector<16xi32>
      %eq3A_680 = arith.cmpi eq, %select_n3A_223, %select_n3A_668 : vector<16xi32>
      %jit3A_681 = arith.constant 0 : i32
      %broadcast_in_dim3A_682 = vector.broadcast %jit3A_681 : i32 to vector<16xi32>
      %select_n3A_683 = arith.select %eq3A_680, %convert_element_type3A_227, %broadcast_in_dim3A_682 : vector<16xi1>, vector<16xi32>
      %add3A_684 = arith.addi %add3A_679, %select_n3A_683 : vector<16xi32>
      %eq3A_685 = arith.cmpi eq, %select_n3A_326, %select_n3A_668 : vector<16xi32>
      %jit3A_686 = arith.constant 0 : i32
      %broadcast_in_dim3A_687 = vector.broadcast %jit3A_686 : i32 to vector<16xi32>
      %select_n3A_688 = arith.select %eq3A_685, %convert_element_type3A_330, %broadcast_in_dim3A_687 : vector<16xi1>, vector<16xi32>
      %add3A_689 = arith.addi %add3A_684, %select_n3A_688 : vector<16xi32>
      %eq3A_690 = arith.cmpi eq, %select_n3A_435, %select_n3A_668 : vector<16xi32>
      %jit3A_691 = arith.constant 0 : i32
      %broadcast_in_dim3A_692 = vector.broadcast %jit3A_691 : i32 to vector<16xi32>
      %select_n3A_693 = arith.select %eq3A_690, %convert_element_type3A_439, %broadcast_in_dim3A_692 : vector<16xi1>, vector<16xi32>
      %add3A_694 = arith.addi %add3A_689, %select_n3A_693 : vector<16xi32>
      %eq3A_695 = arith.cmpi eq, %select_n3A_549, %select_n3A_668 : vector<16xi32>
      %jit3A_696 = arith.constant 0 : i32
      %broadcast_in_dim3A_697 = vector.broadcast %jit3A_696 : i32 to vector<16xi32>
      %select_n3A_698 = arith.select %eq3A_695, %convert_element_type3A_553, %broadcast_in_dim3A_697 : vector<16xi1>, vector<16xi32>
      %add3A_699 = arith.addi %add3A_694, %select_n3A_698 : vector<16xi32>
      %add3A_700 = arith.addi %mul3A_46, %select_n3A_668 : vector<16xi32>
      %gather3A_701 = tpu.vector_load_idx %arg11[%add3A_700] : memref<32768xf32, #tpu.memory_space<vmem>>[vector<16xi32>], vector<16xf32>,
      %gather3A_702 = tpu.vector_load_idx %arg15[%add3A_699] : memref<8xf32, #tpu.memory_space<vmem>>[vector<16xi32>], vector<16xf32>,
      %convert_element_type3A_703 = arith.sitofp %convert_element_type3A_672 : vector<16xi32> to vector<16xf32>
      %sub3A_704 = arith.subf %gather3A_701, %gather3A_702 : vector<16xf32>
      %mul3A_705 = arith.mulf %convert_element_type3A_703, %sub3A_704 : vector<16xf32>
      %add3A_706 = arith.addf %add3A_582, %mul3A_705 : vector<16xf32>
      %add3A_707 = arith.constant 2560 : i32
      %add3A_708 = arith.addi %add3A_707, %mul3A_40 : i32
      %swap3A_709 = arith.index_cast %add3A_708 : i32 to index
      %swap3A_710 = tpu.vector_load %arg16[%swap3A_709] {strides = array<i32>} : memref<3072xi32, #tpu.memory_space<vmem>>, vector<16xi32>,
      tpu.vector_store %arg16[%swap3A_709], %select_n3A_668 {strides = array<i32>} : memref<3072xi32, #tpu.memory_space<vmem>>, vector<16xi32>,
      %swap3A_711 = arith.index_cast %mul3A_40 : i32 to index
      %swap3A_712 = tpu.vector_load %arg17[%swap3A_711] {strides = array<i32>} : memref<512xf32, #tpu.memory_space<vmem>>, vector<16xf32>,
      tpu.vector_store %arg17[%swap3A_711], %add3A_706 {strides = array<i32>} : memref<512xf32, #tpu.memory_space<vmem>>, vector<16xf32>,
      %scan3A_713 = arith.constant 0 : i32
      scf.yield %scan3A_713 : i32
    }
    %scan3A_24 = arith.constant 32 : i32
    %add3A_25 = arith.constant 0 : i32
    %add3A_26 = arith.addi %add3A_25, %mul3A_2 : i32
    "tpu.region"() ({
      %run_scoped3A = tpu.sem_alloc : memref<!tpu.dma_semaphore, #tpu.memory_space<semaphore_mem>>
      %dma_start3A = arith.constant 0 : i32
      %dma_start3A_37 = tpu.memref_slice %arg16[%dma_start3A] : memref<3072xi32, #tpu.memory_space<vmem>> -> memref<512xi32, #tpu.memory_space<vmem>>
      %dma_start3A_38 = tpu.memref_slice %arg8[%add3A_26] : memref<98304xi32, #tpu.memory_space<hbm>> -> memref<512xi32, #tpu.memory_space<hbm>>
      %dma_start3A_39 = tpu.memref_slice %arg8[%add3A_26] : memref<98304xi32, #tpu.memory_space<hbm>> -> memref<512xi32, #tpu.memory_space<hbm>>
      %dma_start3A_40 = arith.constant 0 : i32
      %dma_start3A_41 = tpu.memref_slice %arg16[%dma_start3A_40] : memref<3072xi32, #tpu.memory_space<vmem>> -> memref<512xi32, #tpu.memory_space<vmem>>
      tpu.enqueue_dma source(%dma_start3A_41 : memref<512xi32, #tpu.memory_space<vmem>>) target(%dma_start3A_39 : memref<512xi32, #tpu.memory_space<hbm>>) target_semaphore(%run_scoped3A : memref<!tpu.dma_semaphore, #tpu.memory_space<semaphore_mem>>)
      %dma_wait3A = arith.constant 0 : i32
      %dma_wait3A_42 = tpu.memref_slice %arg16[%dma_wait3A] : memref<3072xi32, #tpu.memory_space<vmem>> -> memref<512xi32, #tpu.memory_space<vmem>>
      %dma_wait3A_43 = tpu.memref_slice %arg8[%add3A_26] : memref<98304xi32, #tpu.memory_space<hbm>> -> memref<512xi32, #tpu.memory_space<hbm>>
      %dma_wait3A_44 = tpu.memref_slice %arg8[%add3A_26] : memref<98304xi32, #tpu.memory_space<hbm>> -> memref<512xi32, #tpu.memory_space<hbm>>
      %dma_wait3A_45 = arith.constant 0 : i32
      %dma_wait3A_46 = tpu.memref_slice %arg16[%dma_wait3A_45] : memref<3072xi32, #tpu.memory_space<vmem>> -> memref<512xi32, #tpu.memory_space<vmem>>
      tpu.wait_dma2 semaphore(%run_scoped3A : memref<!tpu.dma_semaphore, #tpu.memory_space<semaphore_mem>>) src(%dma_wait3A_46 : memref<512xi32, #tpu.memory_space<vmem>>) dst(%dma_wait3A_44 : memref<512xi32, #tpu.memory_space<hbm>>)
      tpu.yield
    }) : () -> ()
    %add3A_27 = arith.constant 16384 : i32
    %add3A_28 = arith.addi %add3A_27, %mul3A_2 : i32
    "tpu.region"() ({
      %run_scoped3A = tpu.sem_alloc : memref<!tpu.dma_semaphore, #tpu.memory_space<semaphore_mem>>
      %dma_start3A = arith.constant 512 : i32
      %dma_start3A_37 = tpu.memref_slice %arg16[%dma_start3A] : memref<3072xi32, #tpu.memory_space<vmem>> -> memref<512xi32, #tpu.memory_space<vmem>>
      %dma_start3A_38 = tpu.memref_slice %arg8[%add3A_28] : memref<98304xi32, #tpu.memory_space<hbm>> -> memref<512xi32, #tpu.memory_space<hbm>>
      %dma_start3A_39 = tpu.memref_slice %arg8[%add3A_28] : memref<98304xi32, #tpu.memory_space<hbm>> -> memref<512xi32, #tpu.memory_space<hbm>>
      %dma_start3A_40 = arith.constant 512 : i32
      %dma_start3A_41 = tpu.memref_slice %arg16[%dma_start3A_40] : memref<3072xi32, #tpu.memory_space<vmem>> -> memref<512xi32, #tpu.memory_space<vmem>>
      tpu.enqueue_dma source(%dma_start3A_41 : memref<512xi32, #tpu.memory_space<vmem>>) target(%dma_start3A_39 : memref<512xi32, #tpu.memory_space<hbm>>) target_semaphore(%run_scoped3A : memref<!tpu.dma_semaphore, #tpu.memory_space<semaphore_mem>>)
      %dma_wait3A = arith.constant 512 : i32
      %dma_wait3A_42 = tpu.memref_slice %arg16[%dma_wait3A] : memref<3072xi32, #tpu.memory_space<vmem>> -> memref<512xi32, #tpu.memory_space<vmem>>
      %dma_wait3A_43 = tpu.memref_slice %arg8[%add3A_28] : memref<98304xi32, #tpu.memory_space<hbm>> -> memref<512xi32, #tpu.memory_space<hbm>>
      %dma_wait3A_44 = tpu.memref_slice %arg8[%add3A_28] : memref<98304xi32, #tpu.memory_space<hbm>> -> memref<512xi32, #tpu.memory_space<hbm>>
      %dma_wait3A_45 = arith.constant 512 : i32
      %dma_wait3A_46 = tpu.memref_slice %arg16[%dma_wait3A_45] : memref<3072xi32, #tpu.memory_space<vmem>> -> memref<512xi32, #tpu.memory_space<vmem>>
      tpu.wait_dma2 semaphore(%run_scoped3A : memref<!tpu.dma_semaphore, #tpu.memory_space<semaphore_mem>>) src(%dma_wait3A_46 : memref<512xi32, #tpu.memory_space<vmem>>) dst(%dma_wait3A_44 : memref<512xi32, #tpu.memory_space<hbm>>)
      tpu.yield
    }) : () -> ()
    %add3A_29 = arith.constant 32768 : i32
    %add3A_30 = arith.addi %add3A_29, %mul3A_2 : i32
    "tpu.region"() ({
      %run_scoped3A = tpu.sem_alloc : memref<!tpu.dma_semaphore, #tpu.memory_space<semaphore_mem>>
      %dma_start3A = arith.constant 1024 : i32
      %dma_start3A_37 = tpu.memref_slice %arg16[%dma_start3A] : memref<3072xi32, #tpu.memory_space<vmem>> -> memref<512xi32, #tpu.memory_space<vmem>>
      %dma_start3A_38 = tpu.memref_slice %arg8[%add3A_30] : memref<98304xi32, #tpu.memory_space<hbm>> -> memref<512xi32, #tpu.memory_space<hbm>>
      %dma_start3A_39 = tpu.memref_slice %arg8[%add3A_30] : memref<98304xi32, #tpu.memory_space<hbm>> -> memref<512xi32, #tpu.memory_space<hbm>>
      %dma_start3A_40 = arith.constant 1024 : i32
      %dma_start3A_41 = tpu.memref_slice %arg16[%dma_start3A_40] : memref<3072xi32, #tpu.memory_space<vmem>> -> memref<512xi32, #tpu.memory_space<vmem>>
      tpu.enqueue_dma source(%dma_start3A_41 : memref<512xi32, #tpu.memory_space<vmem>>) target(%dma_start3A_39 : memref<512xi32, #tpu.memory_space<hbm>>) target_semaphore(%run_scoped3A : memref<!tpu.dma_semaphore, #tpu.memory_space<semaphore_mem>>)
      %dma_wait3A = arith.constant 1024 : i32
      %dma_wait3A_42 = tpu.memref_slice %arg16[%dma_wait3A] : memref<3072xi32, #tpu.memory_space<vmem>> -> memref<512xi32, #tpu.memory_space<vmem>>
      %dma_wait3A_43 = tpu.memref_slice %arg8[%add3A_30] : memref<98304xi32, #tpu.memory_space<hbm>> -> memref<512xi32, #tpu.memory_space<hbm>>
      %dma_wait3A_44 = tpu.memref_slice %arg8[%add3A_30] : memref<98304xi32, #tpu.memory_space<hbm>> -> memref<512xi32, #tpu.memory_space<hbm>>
      %dma_wait3A_45 = arith.constant 1024 : i32
      %dma_wait3A_46 = tpu.memref_slice %arg16[%dma_wait3A_45] : memref<3072xi32, #tpu.memory_space<vmem>> -> memref<512xi32, #tpu.memory_space<vmem>>
      tpu.wait_dma2 semaphore(%run_scoped3A : memref<!tpu.dma_semaphore, #tpu.memory_space<semaphore_mem>>) src(%dma_wait3A_46 : memref<512xi32, #tpu.memory_space<vmem>>) dst(%dma_wait3A_44 : memref<512xi32, #tpu.memory_space<hbm>>)
      tpu.yield
    }) : () -> ()
    %add3A_31 = arith.constant 49152 : i32
    %add3A_32 = arith.addi %add3A_31, %mul3A_2 : i32
    "tpu.region"() ({
      %run_scoped3A = tpu.sem_alloc : memref<!tpu.dma_semaphore, #tpu.memory_space<semaphore_mem>>
      %dma_start3A = arith.constant 1536 : i32
      %dma_start3A_37 = tpu.memref_slice %arg16[%dma_start3A] : memref<3072xi32, #tpu.memory_space<vmem>> -> memref<512xi32, #tpu.memory_space<vmem>>
      %dma_start3A_38 = tpu.memref_slice %arg8[%add3A_32] : memref<98304xi32, #tpu.memory_space<hbm>> -> memref<512xi32, #tpu.memory_space<hbm>>
      %dma_start3A_39 = tpu.memref_slice %arg8[%add3A_32] : memref<98304xi32, #tpu.memory_space<hbm>> -> memref<512xi32, #tpu.memory_space<hbm>>
      %dma_start3A_40 = arith.constant 1536 : i32
      %dma_start3A_41 = tpu.memref_slice %arg16[%dma_start3A_40] : memref<3072xi32, #tpu.memory_space<vmem>> -> memref<512xi32, #tpu.memory_space<vmem>>
      tpu.enqueue_dma source(%dma_start3A_41 : memref<512xi32, #tpu.memory_space<vmem>>) target(%dma_start3A_39 : memref<512xi32, #tpu.memory_space<hbm>>) target_semaphore(%run_scoped3A : memref<!tpu.dma_semaphore, #tpu.memory_space<semaphore_mem>>)
      %dma_wait3A = arith.constant 1536 : i32
      %dma_wait3A_42 = tpu.memref_slice %arg16[%dma_wait3A] : memref<3072xi32, #tpu.memory_space<vmem>> -> memref<512xi32, #tpu.memory_space<vmem>>
      %dma_wait3A_43 = tpu.memref_slice %arg8[%add3A_32] : memref<98304xi32, #tpu.memory_space<hbm>> -> memref<512xi32, #tpu.memory_space<hbm>>
      %dma_wait3A_44 = tpu.memref_slice %arg8[%add3A_32] : memref<98304xi32, #tpu.memory_space<hbm>> -> memref<512xi32, #tpu.memory_space<hbm>>
      %dma_wait3A_45 = arith.constant 1536 : i32
      %dma_wait3A_46 = tpu.memref_slice %arg16[%dma_wait3A_45] : memref<3072xi32, #tpu.memory_space<vmem>> -> memref<512xi32, #tpu.memory_space<vmem>>
      tpu.wait_dma2 semaphore(%run_scoped3A : memref<!tpu.dma_semaphore, #tpu.memory_space<semaphore_mem>>) src(%dma_wait3A_46 : memref<512xi32, #tpu.memory_space<vmem>>) dst(%dma_wait3A_44 : memref<512xi32, #tpu.memory_space<hbm>>)
      tpu.yield
    }) : () -> ()
    %add3A_33 = arith.constant 65536 : i32
    %add3A_34 = arith.addi %add3A_33, %mul3A_2 : i32
    "tpu.region"() ({
      %run_scoped3A = tpu.sem_alloc : memref<!tpu.dma_semaphore, #tpu.memory_space<semaphore_mem>>
      %dma_start3A = arith.constant 2048 : i32
      %dma_start3A_37 = tpu.memref_slice %arg16[%dma_start3A] : memref<3072xi32, #tpu.memory_space<vmem>> -> memref<512xi32, #tpu.memory_space<vmem>>
      %dma_start3A_38 = tpu.memref_slice %arg8[%add3A_34] : memref<98304xi32, #tpu.memory_space<hbm>> -> memref<512xi32, #tpu.memory_space<hbm>>
      %dma_start3A_39 = tpu.memref_slice %arg8[%add3A_34] : memref<98304xi32, #tpu.memory_space<hbm>> -> memref<512xi32, #tpu.memory_space<hbm>>
      %dma_start3A_40 = arith.constant 2048 : i32
      %dma_start3A_41 = tpu.memref_slice %arg16[%dma_start3A_40] : memref<3072xi32, #tpu.memory_space<vmem>> -> memref<512xi32, #tpu.memory_space<vmem>>
      tpu.enqueue_dma source(%dma_start3A_41 : memref<512xi32, #tpu.memory_space<vmem>>) target(%dma_start3A_39 : memref<512xi32, #tpu.memory_space<hbm>>) target_semaphore(%run_scoped3A : memref<!tpu.dma_semaphore, #tpu.memory_space<semaphore_mem>>)
      %dma_wait3A = arith.constant 2048 : i32
      %dma_wait3A_42 = tpu.memref_slice %arg16[%dma_wait3A] : memref<3072xi32, #tpu.memory_space<vmem>> -> memref<512xi32, #tpu.memory_space<vmem>>
      %dma_wait3A_43 = tpu.memref_slice %arg8[%add3A_34] : memref<98304xi32, #tpu.memory_space<hbm>> -> memref<512xi32, #tpu.memory_space<hbm>>
      %dma_wait3A_44 = tpu.memref_slice %arg8[%add3A_34] : memref<98304xi32, #tpu.memory_space<hbm>> -> memref<512xi32, #tpu.memory_space<hbm>>
      %dma_wait3A_45 = arith.constant 2048 : i32
      %dma_wait3A_46 = tpu.memref_slice %arg16[%dma_wait3A_45] : memref<3072xi32, #tpu.memory_space<vmem>> -> memref<512xi32, #tpu.memory_space<vmem>>
      tpu.wait_dma2 semaphore(%run_scoped3A : memref<!tpu.dma_semaphore, #tpu.memory_space<semaphore_mem>>) src(%dma_wait3A_46 : memref<512xi32, #tpu.memory_space<vmem>>) dst(%dma_wait3A_44 : memref<512xi32, #tpu.memory_space<hbm>>)
      tpu.yield
    }) : () -> ()
    %add3A_35 = arith.constant 81920 : i32
    %add3A_36 = arith.addi %add3A_35, %mul3A_2 : i32
    "tpu.region"() ({
      %run_scoped3A = tpu.sem_alloc : memref<!tpu.dma_semaphore, #tpu.memory_space<semaphore_mem>>
      %dma_start3A = arith.constant 2560 : i32
      %dma_start3A_37 = tpu.memref_slice %arg16[%dma_start3A] : memref<3072xi32, #tpu.memory_space<vmem>> -> memref<512xi32, #tpu.memory_space<vmem>>
      %dma_start3A_38 = tpu.memref_slice %arg8[%add3A_36] : memref<98304xi32, #tpu.memory_space<hbm>> -> memref<512xi32, #tpu.memory_space<hbm>>
      %dma_start3A_39 = tpu.memref_slice %arg8[%add3A_36] : memref<98304xi32, #tpu.memory_space<hbm>> -> memref<512xi32, #tpu.memory_space<hbm>>
      %dma_start3A_40 = arith.constant 2560 : i32
      %dma_start3A_41 = tpu.memref_slice %arg16[%dma_start3A_40] : memref<3072xi32, #tpu.memory_space<vmem>> -> memref<512xi32, #tpu.memory_space<vmem>>
      tpu.enqueue_dma source(%dma_start3A_41 : memref<512xi32, #tpu.memory_space<vmem>>) target(%dma_start3A_39 : memref<512xi32, #tpu.memory_space<hbm>>) target_semaphore(%run_scoped3A : memref<!tpu.dma_semaphore, #tpu.memory_space<semaphore_mem>>)
      %dma_wait3A = arith.constant 2560 : i32
      %dma_wait3A_42 = tpu.memref_slice %arg16[%dma_wait3A] : memref<3072xi32, #tpu.memory_space<vmem>> -> memref<512xi32, #tpu.memory_space<vmem>>
      %dma_wait3A_43 = tpu.memref_slice %arg8[%add3A_36] : memref<98304xi32, #tpu.memory_space<hbm>> -> memref<512xi32, #tpu.memory_space<hbm>>
      %dma_wait3A_44 = tpu.memref_slice %arg8[%add3A_36] : memref<98304xi32, #tpu.memory_space<hbm>> -> memref<512xi32, #tpu.memory_space<hbm>>
      %dma_wait3A_45 = arith.constant 2560 : i32
      %dma_wait3A_46 = tpu.memref_slice %arg16[%dma_wait3A_45] : memref<3072xi32, #tpu.memory_space<vmem>> -> memref<512xi32, #tpu.memory_space<vmem>>
      tpu.wait_dma2 semaphore(%run_scoped3A : memref<!tpu.dma_semaphore, #tpu.memory_space<semaphore_mem>>) src(%dma_wait3A_46 : memref<512xi32, #tpu.memory_space<vmem>>) dst(%dma_wait3A_44 : memref<512xi32, #tpu.memory_space<hbm>>)
      tpu.yield
    }) : () -> ()
    "tpu.region"() ({
      %run_scoped3A = tpu.sem_alloc : memref<!tpu.dma_semaphore, #tpu.memory_space<semaphore_mem>>
      %dma_start3A = tpu.memref_slice %arg9[%mul3A_2] : memref<16384xf32, #tpu.memory_space<hbm>> -> memref<512xf32, #tpu.memory_space<hbm>>
      %dma_start3A_37 = tpu.memref_slice %arg9[%mul3A_2] : memref<16384xf32, #tpu.memory_space<hbm>> -> memref<512xf32, #tpu.memory_space<hbm>>
      tpu.enqueue_dma source(%arg17 : memref<512xf32, #tpu.memory_space<vmem>>) target(%dma_start3A_37 : memref<512xf32, #tpu.memory_space<hbm>>) target_semaphore(%run_scoped3A : memref<!tpu.dma_semaphore, #tpu.memory_space<semaphore_mem>>)
      %dma_wait3A = tpu.memref_slice %arg9[%mul3A_2] : memref<16384xf32, #tpu.memory_space<hbm>> -> memref<512xf32, #tpu.memory_space<hbm>>
      %dma_wait3A_38 = tpu.memref_slice %arg9[%mul3A_2] : memref<16384xf32, #tpu.memory_space<hbm>> -> memref<512xf32, #tpu.memory_space<hbm>>
      tpu.wait_dma2 semaphore(%run_scoped3A : memref<!tpu.dma_semaphore, #tpu.memory_space<semaphore_mem>>) src(%arg17 : memref<512xf32, #tpu.memory_space<vmem>>) dst(%dma_wait3A_38 : memref<512xf32, #tpu.memory_space<hbm>>)
      tpu.yield
    }) : () -> ()
    return
  }
}

module attributes {stable_mosaic.version = 14 : i64} {
  func.func @_route_kernel(%arg0: i32, %arg1: memref<2048x1024xf32, #tpu.memory_space<vmem>>, %arg2: memref<1024x256xf32, #tpu.memory_space<vmem>>, %arg3: memref<1x256xf32, #tpu.memory_space<vmem>>, %arg4: memref<64x2048xf32, #tpu.memory_space<vmem>>, %arg5: memref<2048x256xf32, #tpu.memory_space<vmem>>, %arg6: memref<1x256xf32, #tpu.memory_space<vmem>>, %arg7: memref<256x256xf32, #tpu.memory_space<vmem>>, %arg8: memref<1x256xf32, #tpu.memory_space<vmem>>, %arg9: memref<256x256xf32, #tpu.memory_space<vmem>>, %arg10: memref<1x256xf32, #tpu.memory_space<vmem>>, %arg11: memref<256x256xf32, #tpu.memory_space<vmem>>, %arg12: memref<1x256xf32, #tpu.memory_space<vmem>>, %arg13: memref<256x2048xf32, #tpu.memory_space<vmem>>, %arg14: memref<1x2048xf32, #tpu.memory_space<vmem>>, %arg15: memref<64x256xf32, #tpu.memory_space<vmem>>, %arg16: memref<2048x64xf32, #tpu.memory_space<vmem>>, %arg17: memref<2048x64xf32, #tpu.memory_space<vmem>>, %arg18: memref<1x1xf32, #tpu.memory_space<vmem>>, %arg19: memref<256x64xf32, #tpu.memory_space<vmem>>) attributes {dimension_semantics = [#tpu.dimension_semantics<arbitrary>], iteration_bounds = array<i64: 8>, scalar_prefetch = 0 : i64, scratch_operands = 1 : i64, tpu.core_type = #tpu.core_type<tc>, window_params = [{transform_indices = @transform_0, window_bounds = array<i64: 2048, 1024>}, {pipeline_mode = #tpu.pipeline_mode<synchronous>, transform_indices = @transform_1, window_bounds = array<i64: 1024, 256>}, {pipeline_mode = #tpu.pipeline_mode<synchronous>, transform_indices = @transform_2, window_bounds = array<i64: 1, 256>}, {pipeline_mode = #tpu.pipeline_mode<synchronous>, transform_indices = @transform_3, window_bounds = array<i64: 64, 2048>}, {pipeline_mode = #tpu.pipeline_mode<synchronous>, transform_indices = @transform_4, window_bounds = array<i64: 2048, 256>}, {pipeline_mode = #tpu.pipeline_mode<synchronous>, transform_indices = @transform_5, window_bounds = array<i64: 1, 256>}, {pipeline_mode = #tpu.pipeline_mode<synchronous>, transform_indices = @transform_6, window_bounds = array<i64: 256, 256>}, {pipeline_mode = #tpu.pipeline_mode<synchronous>, transform_indices = @transform_7, window_bounds = array<i64: 1, 256>}, {pipeline_mode = #tpu.pipeline_mode<synchronous>, transform_indices = @transform_8, window_bounds = array<i64: 256, 256>}, {pipeline_mode = #tpu.pipeline_mode<synchronous>, transform_indices = @transform_9, window_bounds = array<i64: 1, 256>}, {pipeline_mode = #tpu.pipeline_mode<synchronous>, transform_indices = @transform_10, window_bounds = array<i64: 256, 256>}, {pipeline_mode = #tpu.pipeline_mode<synchronous>, transform_indices = @transform_11, window_bounds = array<i64: 1, 256>}, {pipeline_mode = #tpu.pipeline_mode<synchronous>, transform_indices = @transform_12, window_bounds = array<i64: 256, 2048>}, {pipeline_mode = #tpu.pipeline_mode<synchronous>, transform_indices = @transform_13, window_bounds = array<i64: 1, 2048>}, {pipeline_mode = #tpu.pipeline_mode<synchronous>, transform_indices = @transform_14, window_bounds = array<i64: 64, 256>}, {transform_indices = @transform_15, window_bounds = array<i64: 2048, 64>}, {transform_indices = @transform_16, window_bounds = array<i64: 2048, 64>}, {pipeline_mode = #tpu.pipeline_mode<synchronous>, transform_indices = @transform_17, window_bounds = array<i64: 1, 1>}]} {
    %eq3A = arith.constant 0 : i32
    %eq3A_0 = arith.cmpi eq, %arg0, %eq3A : i32
    %convert_element_type3A = arith.extui %eq3A_0 : i1 to i32
    %cond3A = arith.constant 0 : i32
    %cond3A_1 = arith.cmpi ne, %convert_element_type3A, %cond3A : i32
    scf.if %cond3A_1 {
      %get3A_39 = arith.constant 0 : index
      %get3A_40 = arith.constant 0 : index
      %get3A_41 = vector.load %arg4[%get3A_39, %get3A_40] : memref<64x2048xf32, #tpu.memory_space<vmem>>, vector<64x2048xf32>
      %get3A_42 = arith.constant 0 : index
      %get3A_43 = arith.constant 0 : index
      %get3A_44 = vector.load %arg5[%get3A_42, %get3A_43] : memref<2048x256xf32, #tpu.memory_space<vmem>>, vector<2048x256xf32>
      %dot_general3A_45 = arith.constant dense<0.000000e+00> : vector<64x256xf32>
      %dot_general3A_46 = tpu.matmul %get3A_41, %get3A_44, %dot_general3A_45 {dimension_numbers = #tpu.dot_dimension_numbers<[1], [0], [0], [1], [0, 0, 1, 1], [], []>, transpose_lhs_hint = false} : vector<64x2048xf32>, vector<2048x256xf32>, vector<64x256xf32> -> vector<64x256xf32>
      %get3A_47 = arith.constant 0 : index
      %get3A_48 = arith.constant 0 : index
      %get3A_49 = vector.load %arg6[%get3A_47, %get3A_48] : memref<1x256xf32, #tpu.memory_space<vmem>>, vector<1x256xf32>
      %add3A_50 = vector.broadcast %get3A_49 : vector<1x256xf32> to vector<64x256xf32>
      %add3A_51 = arith.addf %dot_general3A_46, %add3A_50 : vector<64x256xf32>
      %max3A_52 = arith.constant 0.000000e+00 : f32
      %max3A_53 = vector.broadcast %max3A_52 : f32 to vector<64x256xf32>
      %max3A_54 = arith.maximumf %add3A_51, %max3A_53 : vector<64x256xf32>
      %get3A_55 = arith.constant 0 : index
      %get3A_56 = arith.constant 0 : index
      %get3A_57 = vector.load %arg7[%get3A_55, %get3A_56] : memref<256x256xf32, #tpu.memory_space<vmem>>, vector<256x256xf32>
      %dot_general3A_58 = arith.constant dense<0.000000e+00> : vector<64x256xf32>
      %dot_general3A_59 = tpu.matmul %max3A_54, %get3A_57, %dot_general3A_58 {dimension_numbers = #tpu.dot_dimension_numbers<[1], [0], [0], [1], [0, 0, 1, 1], [], []>, transpose_lhs_hint = false} : vector<64x256xf32>, vector<256x256xf32>, vector<64x256xf32> -> vector<64x256xf32>
      %get3A_60 = arith.constant 0 : index
      %get3A_61 = arith.constant 0 : index
      %get3A_62 = vector.load %arg8[%get3A_60, %get3A_61] : memref<1x256xf32, #tpu.memory_space<vmem>>, vector<1x256xf32>
      %add3A_63 = vector.broadcast %get3A_62 : vector<1x256xf32> to vector<64x256xf32>
      %add3A_64 = arith.addf %dot_general3A_59, %add3A_63 : vector<64x256xf32>
      %get3A_65 = arith.constant 0 : index
      %get3A_66 = arith.constant 0 : index
      %get3A_67 = vector.load %arg9[%get3A_65, %get3A_66] : memref<256x256xf32, #tpu.memory_space<vmem>>, vector<256x256xf32>
      %dot_general3A_68 = arith.constant dense<0.000000e+00> : vector<64x256xf32>
      %dot_general3A_69 = tpu.matmul %max3A_54, %get3A_67, %dot_general3A_68 {dimension_numbers = #tpu.dot_dimension_numbers<[1], [0], [0], [1], [0, 0, 1, 1], [], []>, transpose_lhs_hint = false} : vector<64x256xf32>, vector<256x256xf32>, vector<64x256xf32> -> vector<64x256xf32>
      %get3A_70 = arith.constant 0 : index
      %get3A_71 = arith.constant 0 : index
      %get3A_72 = vector.load %arg10[%get3A_70, %get3A_71] : memref<1x256xf32, #tpu.memory_space<vmem>>, vector<1x256xf32>
      %add3A_73 = vector.broadcast %get3A_72 : vector<1x256xf32> to vector<64x256xf32>
      %add3A_74 = arith.addf %dot_general3A_69, %add3A_73 : vector<64x256xf32>
      %mul3A_75 = arith.constant 5.000000e-01 : f32
      %mul3A_76 = vector.broadcast %mul3A_75 : f32 to vector<64x256xf32>
      %mul3A_77 = arith.mulf %mul3A_76, %add3A_74 : vector<64x256xf32>
      %exp3A_78 = math.exp %mul3A_77 : vector<64x256xf32>
      %mul3A_79 = arith.constant 1.000000e-01 : f32
      %mul3A_80 = vector.broadcast %mul3A_79 : f32 to vector<64x256xf32>
      %mul3A_81 = arith.mulf %exp3A_78, %mul3A_80 : vector<64x256xf32>
      %get3A_82 = arith.constant 0 : index
      %get3A_83 = arith.constant 0 : index
      %get3A_84 = vector.load %arg15[%get3A_82, %get3A_83] : memref<64x256xf32, #tpu.memory_space<vmem>>, vector<64x256xf32>
      %mul3A_85 = arith.mulf %get3A_84, %mul3A_81 : vector<64x256xf32>
      %add3A_86 = arith.addf %add3A_64, %mul3A_85 : vector<64x256xf32>
      %get3A_87 = arith.constant 0 : index
      %get3A_88 = arith.constant 0 : index
      %get3A_89 = vector.load %arg11[%get3A_87, %get3A_88] : memref<256x256xf32, #tpu.memory_space<vmem>>, vector<256x256xf32>
      %dot_general3A_90 = arith.constant dense<0.000000e+00> : vector<64x256xf32>
      %dot_general3A_91 = tpu.matmul %add3A_86, %get3A_89, %dot_general3A_90 {dimension_numbers = #tpu.dot_dimension_numbers<[1], [0], [0], [1], [0, 0, 1, 1], [], []>, transpose_lhs_hint = false} : vector<64x256xf32>, vector<256x256xf32>, vector<64x256xf32> -> vector<64x256xf32>
      %get3A_92 = arith.constant 0 : index
      %get3A_93 = arith.constant 0 : index
      %get3A_94 = vector.load %arg12[%get3A_92, %get3A_93] : memref<1x256xf32, #tpu.memory_space<vmem>>, vector<1x256xf32>
      %add3A_95 = vector.broadcast %get3A_94 : vector<1x256xf32> to vector<64x256xf32>
      %add3A_96 = arith.addf %dot_general3A_91, %add3A_95 : vector<64x256xf32>
      %max3A_97 = arith.constant 0.000000e+00 : f32
      %max3A_98 = vector.broadcast %max3A_97 : f32 to vector<64x256xf32>
      %max3A_99 = arith.maximumf %add3A_96, %max3A_98 : vector<64x256xf32>
      %get3A_100 = arith.constant 0 : index
      %get3A_101 = arith.constant 0 : index
      %get3A_102 = vector.load %arg13[%get3A_100, %get3A_101] : memref<256x2048xf32, #tpu.memory_space<vmem>>, vector<256x2048xf32>
      %dot_general3A_103 = arith.constant dense<0.000000e+00> : vector<64x2048xf32>
      %dot_general3A_104 = tpu.matmul %max3A_99, %get3A_102, %dot_general3A_103 {dimension_numbers = #tpu.dot_dimension_numbers<[1], [0], [0], [1], [0, 0, 1, 1], [], []>, transpose_lhs_hint = false} : vector<64x256xf32>, vector<256x2048xf32>, vector<64x2048xf32> -> vector<64x2048xf32>
      %get3A_105 = arith.constant 0 : index
      %get3A_106 = arith.constant 0 : index
      %get3A_107 = vector.load %arg14[%get3A_105, %get3A_106] : memref<1x2048xf32, #tpu.memory_space<vmem>>, vector<1x2048xf32>
      %add3A_108 = vector.broadcast %get3A_107 : vector<1x2048xf32> to vector<64x2048xf32>
      %add3A_109 = arith.addf %dot_general3A_104, %add3A_108 : vector<64x2048xf32>
      %sub3A_110 = arith.subf %add3A_109, %get3A_41 : vector<64x2048xf32>
      %integer_pow3A = arith.mulf %sub3A_110, %sub3A_110 : vector<64x2048xf32>
      %reduce_sum3A_111 = vector.shape_cast %integer_pow3A : vector<64x2048xf32> to vector<1x64x2048xf32>
      %reduce_sum3A_112 = arith.constant dense<0.000000e+00> : vector<1xf32>
      %reduce_sum3A_113 = vector.multi_reduction <add>, %reduce_sum3A_111, %reduce_sum3A_112 [1, 2] : vector<1x64x2048xf32> to vector<1xf32>
      %reduce_sum3A_114 = vector.shape_cast %reduce_sum3A_113 : vector<1xf32> to vector<1x1x1xf32>
      %reduce_sum3A_115 = vector.extract %reduce_sum3A_114[0, 0, 0] : f32 from vector<1x1x1xf32>
      %div3A_116 = arith.constant 1.310720e+05 : f32
      %div3A_117 = arith.divf %reduce_sum3A_115, %div3A_116 : f32
      %add3A_118 = arith.constant 5.60517025 : f32
      %add3A_119 = vector.broadcast %add3A_118 : f32 to vector<64x256xf32>
      %add3A_120 = arith.addf %add3A_119, %add3A_74 : vector<64x256xf32>
      %integer_pow3A_121 = arith.mulf %add3A_64, %add3A_64 : vector<64x256xf32>
      %exp3A_122 = math.exp %add3A_74 : vector<64x256xf32>
      %add3A_123 = arith.addf %integer_pow3A_121, %exp3A_122 : vector<64x256xf32>
      %div3A_124 = arith.constant 0.00999999977 : f32
      %div3A_125 = vector.broadcast %div3A_124 : f32 to vector<64x256xf32>
      %div3A_126 = arith.divf %add3A_123, %div3A_125 : vector<64x256xf32>
      %sub3A_127 = arith.subf %add3A_120, %div3A_126 : vector<64x256xf32>
      %reduce_sum3A_128 = vector.shape_cast %sub3A_127 : vector<64x256xf32> to vector<1x64x256xf32>
      %reduce_sum3A_129 = arith.constant dense<0.000000e+00> : vector<1xf32>
      %reduce_sum3A_130 = vector.multi_reduction <add>, %reduce_sum3A_128, %reduce_sum3A_129 [1, 2] : vector<1x64x256xf32> to vector<1xf32>
      %reduce_sum3A_131 = vector.shape_cast %reduce_sum3A_130 : vector<1xf32> to vector<1x1x1xf32>
      %reduce_sum3A_132 = vector.extract %reduce_sum3A_131[0, 0, 0] : f32 from vector<1x1x1xf32>
      %div3A_133 = arith.constant 1.638400e+04 : f32
      %div3A_134 = arith.divf %reduce_sum3A_132, %div3A_133 : f32
      %mul3A_135 = arith.constant -5.000000e-01 : f32
      %mul3A_136 = arith.mulf %mul3A_135, %div3A_134 : f32
      %add3A_137 = arith.addf %div3A_117, %mul3A_136 : f32
      %reshape3A = vector.broadcast %add3A_137 : f32 to vector<1x1xf32>
      %swap3A_138 = arith.constant 0 : index
      %swap3A_139 = arith.constant 0 : index
      %swap3A_140 = vector.load %arg18[%swap3A_138, %swap3A_139] : memref<1x1xf32, #tpu.memory_space<vmem>>, vector<1x1xf32>
      tpu.vector_store %arg18[%swap3A_138, %swap3A_139], %reshape3A {strides = array<i32>} : memref<1x1xf32, #tpu.memory_space<vmem>>, vector<1x1xf32>,
      %mul3A_141 = arith.mulf %add3A_86, %add3A_86 : vector<64x256xf32>
      %reduce_sum3A_142 = arith.constant dense<0.000000e+00> : vector<64xf32>
      %reduce_sum3A_143 = vector.multi_reduction <add>, %mul3A_141, %reduce_sum3A_142 [1] : vector<64x256xf32> to vector<64xf32>
      %broadcast_in_dim3A_144 = vector.shape_cast %reduce_sum3A_143 : vector<64xf32> to vector<64x1xf32>
      %sqrt3A_145 = math.sqrt %broadcast_in_dim3A_144 : vector<64x1xf32>
      %max3A_146 = arith.constant 9.99999996E-13 : f32
      %max3A_147 = vector.broadcast %max3A_146 : f32 to vector<64x1xf32>
      %max3A_148 = arith.maximumf %sqrt3A_145, %max3A_147 : vector<64x1xf32>
      %div3A_149 = vector.broadcast %max3A_148 : vector<64x1xf32> to vector<64x256xf32>
      %div3A_150 = arith.divf %add3A_86, %div3A_149 : vector<64x256xf32>
      %transpose3A = tpu.transpose %div3A_150, [1, 0] : vector<64x256xf32> -> vector<256x64xf32>
      %swap3A_151 = arith.constant 0 : index
      %swap3A_152 = arith.constant 0 : index
      %swap3A_153 = vector.load %arg19[%swap3A_151, %swap3A_152] : memref<256x64xf32, #tpu.memory_space<vmem>>, vector<256x64xf32>
      tpu.vector_store %arg19[%swap3A_151, %swap3A_152], %transpose3A {strides = array<i32>} : memref<256x64xf32, #tpu.memory_space<vmem>>, vector<256x64xf32>,
    } else {
    }
    %get3A = arith.constant 0 : index
    %get3A_2 = arith.constant 0 : index
    %get3A_3 = vector.load %arg1[%get3A, %get3A_2] : memref<2048x1024xf32, #tpu.memory_space<vmem>>, vector<2048x1024xf32>
    %get3A_4 = arith.constant 0 : index
    %get3A_5 = arith.constant 0 : index
    %get3A_6 = vector.load %arg2[%get3A_4, %get3A_5] : memref<1024x256xf32, #tpu.memory_space<vmem>>, vector<1024x256xf32>
    %dot_general3A = arith.constant dense<0.000000e+00> : vector<2048x256xf32>
    %dot_general3A_7 = tpu.matmul %get3A_3, %get3A_6, %dot_general3A {dimension_numbers = #tpu.dot_dimension_numbers<[1], [0], [0], [1], [0, 0, 1, 1], [], []>, transpose_lhs_hint = false} : vector<2048x1024xf32>, vector<1024x256xf32>, vector<2048x256xf32> -> vector<2048x256xf32>
    %get3A_8 = arith.constant 0 : index
    %get3A_9 = arith.constant 0 : index
    %get3A_10 = vector.load %arg3[%get3A_8, %get3A_9] : memref<1x256xf32, #tpu.memory_space<vmem>>, vector<1x256xf32>
    %add3A = vector.broadcast %get3A_10 : vector<1x256xf32> to vector<2048x256xf32>
    %add3A_11 = arith.addf %dot_general3A_7, %add3A : vector<2048x256xf32>
    %mul3A = arith.mulf %add3A_11, %add3A_11 : vector<2048x256xf32>
    %reduce_sum3A = arith.constant dense<0.000000e+00> : vector<2048xf32>
    %reduce_sum3A_12 = vector.multi_reduction <add>, %mul3A, %reduce_sum3A [1] : vector<2048x256xf32> to vector<2048xf32>
    %broadcast_in_dim3A = vector.shape_cast %reduce_sum3A_12 : vector<2048xf32> to vector<2048x1xf32>
    %sqrt3A = math.sqrt %broadcast_in_dim3A : vector<2048x1xf32>
    %max3A = arith.constant 9.99999996E-13 : f32
    %max3A_13 = vector.broadcast %max3A : f32 to vector<2048x1xf32>
    %max3A_14 = arith.maximumf %sqrt3A, %max3A_13 : vector<2048x1xf32>
    %div3A = vector.broadcast %max3A_14 : vector<2048x1xf32> to vector<2048x256xf32>
    %div3A_15 = arith.divf %add3A_11, %div3A : vector<2048x256xf32>
    %get3A_16 = arith.constant 0 : index
    %get3A_17 = arith.constant 0 : index
    %get3A_18 = vector.load %arg19[%get3A_16, %get3A_17] : memref<256x64xf32, #tpu.memory_space<vmem>>, vector<256x64xf32>
    %dot_general3A_19 = arith.constant dense<0.000000e+00> : vector<2048x64xf32>
    %dot_general3A_20 = tpu.matmul %div3A_15, %get3A_18, %dot_general3A_19 {dimension_numbers = #tpu.dot_dimension_numbers<[1], [0], [0], [1], [0, 0, 1, 1], [], []>, transpose_lhs_hint = false} : vector<2048x256xf32>, vector<256x64xf32>, vector<2048x64xf32> -> vector<2048x64xf32>
    %reduce_max3A = arith.constant dense<0xFF800000> : vector<2048xf32>
    %reduce_max3A_21 = vector.multi_reduction <maximumf>, %dot_general3A_20, %reduce_max3A [1] : vector<2048x64xf32> to vector<2048xf32>
    %broadcast_in_dim3A_22 = vector.shape_cast %reduce_max3A_21 : vector<2048xf32> to vector<2048x1xf32>
    %sub3A = vector.broadcast %broadcast_in_dim3A_22 : vector<2048x1xf32> to vector<2048x64xf32>
    %sub3A_23 = arith.subf %dot_general3A_20, %sub3A : vector<2048x64xf32>
    %exp3A = math.exp %sub3A_23 : vector<2048x64xf32>
    %reduce_sum3A_24 = arith.constant dense<0.000000e+00> : vector<2048xf32>
    %reduce_sum3A_25 = vector.multi_reduction <add>, %exp3A, %reduce_sum3A_24 [1] : vector<2048x64xf32> to vector<2048xf32>
    %broadcast_in_dim3A_26 = vector.shape_cast %reduce_sum3A_25 : vector<2048xf32> to vector<2048x1xf32>
    %div3A_27 = vector.broadcast %broadcast_in_dim3A_26 : vector<2048x1xf32> to vector<2048x64xf32>
    %div3A_28 = arith.divf %exp3A, %div3A_27 : vector<2048x64xf32>
    %iota3A = tpu.iota {dimensions = array<i32: 0>} : vector<64x64xi32>
    %iota3A_29 = tpu.iota {dimensions = array<i32: 1>} : vector<64x64xi32>
    %le3A = arith.cmpi sle, %iota3A, %iota3A_29 : vector<64x64xi32>
    %convert_element_type3A_30 = arith.extui %le3A : vector<64x64xi1> to vector<64x64xi32>
    %convert_element_type3A_31 = arith.sitofp %convert_element_type3A_30 : vector<64x64xi32> to vector<64x64xf32>
    %dot_general3A_32 = arith.constant dense<0.000000e+00> : vector<2048x64xf32>
    %dot_general3A_33 = tpu.matmul %div3A_28, %convert_element_type3A_31, %dot_general3A_32 {dimension_numbers = #tpu.dot_dimension_numbers<[1], [0], [0], [1], [0, 0, 1, 1], [], []>, precision = #tpu.contract_precision<fp32>, transpose_lhs_hint = false} : vector<2048x64xf32>, vector<64x64xf32>, vector<2048x64xf32> -> vector<2048x64xf32>
    %swap3A = arith.constant 0 : index
    %swap3A_34 = arith.constant 0 : index
    %swap3A_35 = vector.load %arg16[%swap3A, %swap3A_34] : memref<2048x64xf32, #tpu.memory_space<vmem>>, vector<2048x64xf32>
    tpu.vector_store %arg16[%swap3A, %swap3A_34], %dot_general3A_33 {strides = array<i32>} : memref<2048x64xf32, #tpu.memory_space<vmem>>, vector<2048x64xf32>,
    %log3A = math.log %div3A_28 : vector<2048x64xf32>
    %swap3A_36 = arith.constant 0 : index
    %swap3A_37 = arith.constant 0 : index
    %swap3A_38 = vector.load %arg17[%swap3A_36, %swap3A_37] : memref<2048x64xf32, #tpu.memory_space<vmem>>, vector<2048x64xf32>
    tpu.vector_store %arg17[%swap3A_36, %swap3A_37], %log3A {strides = array<i32>} : memref<2048x64xf32, #tpu.memory_space<vmem>>, vector<2048x64xf32>,
    return
  }
  func.func @transform_0(%arg0: i32) -> (i32, i32) {
    %c0_i32 = arith.constant 0 : i32
    %c0_i32_0 = arith.constant 0 : i32
    return %arg0, %c0_i32 : i32, i32
  }
  func.func @transform_1(%arg0: i32) -> (i32, i32) {
    %c0_i32 = arith.constant 0 : i32
    %c0_i32_0 = arith.constant 0 : i32
    %c0_i32_1 = arith.constant 0 : i32
    return %c0_i32, %c0_i32_0 : i32, i32
  }
  func.func @transform_2(%arg0: i32) -> (i32, i32) {
    %c0_i32 = arith.constant 0 : i32
    %c0_i32_0 = arith.constant 0 : i32
    %c0_i32_1 = arith.constant 0 : i32
    return %c0_i32, %c0_i32_0 : i32, i32
  }
  func.func @transform_3(%arg0: i32) -> (i32, i32) {
    %c0_i32 = arith.constant 0 : i32
    %c0_i32_0 = arith.constant 0 : i32
    %c0_i32_1 = arith.constant 0 : i32
    return %c0_i32, %c0_i32_0 : i32, i32
  }
  func.func @transform_4(%arg0: i32) -> (i32, i32) {
    %c0_i32 = arith.constant 0 : i32
    %c0_i32_0 = arith.constant 0 : i32
    %c0_i32_1 = arith.constant 0 : i32
    return %c0_i32, %c0_i32_0 : i32, i32
  }
  func.func @transform_5(%arg0: i32) -> (i32, i32) {
    %c0_i32 = arith.constant 0 : i32
    %c0_i32_0 = arith.constant 0 : i32
    %c0_i32_1 = arith.constant 0 : i32
    return %c0_i32, %c0_i32_0 : i32, i32
  }
  func.func @transform_6(%arg0: i32) -> (i32, i32) {
    %c0_i32 = arith.constant 0 : i32
    %c0_i32_0 = arith.constant 0 : i32
    %c0_i32_1 = arith.constant 0 : i32
    return %c0_i32, %c0_i32_0 : i32, i32
  }
  func.func @transform_7(%arg0: i32) -> (i32, i32) {
    %c0_i32 = arith.constant 0 : i32
    %c0_i32_0 = arith.constant 0 : i32
    %c0_i32_1 = arith.constant 0 : i32
    return %c0_i32, %c0_i32_0 : i32, i32
  }
  func.func @transform_8(%arg0: i32) -> (i32, i32) {
    %c0_i32 = arith.constant 0 : i32
    %c0_i32_0 = arith.constant 0 : i32
    %c0_i32_1 = arith.constant 0 : i32
    return %c0_i32, %c0_i32_0 : i32, i32
  }
  func.func @transform_9(%arg0: i32) -> (i32, i32) {
    %c0_i32 = arith.constant 0 : i32
    %c0_i32_0 = arith.constant 0 : i32
    %c0_i32_1 = arith.constant 0 : i32
    return %c0_i32, %c0_i32_0 : i32, i32
  }
  func.func @transform_10(%arg0: i32) -> (i32, i32) {
    %c0_i32 = arith.constant 0 : i32
    %c0_i32_0 = arith.constant 0 : i32
    %c0_i32_1 = arith.constant 0 : i32
    return %c0_i32, %c0_i32_0 : i32, i32
  }
  func.func @transform_11(%arg0: i32) -> (i32, i32) {
    %c0_i32 = arith.constant 0 : i32
    %c0_i32_0 = arith.constant 0 : i32
    %c0_i32_1 = arith.constant 0 : i32
    return %c0_i32, %c0_i32_0 : i32, i32
  }
  func.func @transform_12(%arg0: i32) -> (i32, i32) {
    %c0_i32 = arith.constant 0 : i32
    %c0_i32_0 = arith.constant 0 : i32
    %c0_i32_1 = arith.constant 0 : i32
    return %c0_i32, %c0_i32_0 : i32, i32
  }
  func.func @transform_13(%arg0: i32) -> (i32, i32) {
    %c0_i32 = arith.constant 0 : i32
    %c0_i32_0 = arith.constant 0 : i32
    %c0_i32_1 = arith.constant 0 : i32
    return %c0_i32, %c0_i32_0 : i32, i32
  }
  func.func @transform_14(%arg0: i32) -> (i32, i32) {
    %c0_i32 = arith.constant 0 : i32
    %c0_i32_0 = arith.constant 0 : i32
    %c0_i32_1 = arith.constant 0 : i32
    return %c0_i32, %c0_i32_0 : i32, i32
  }
  func.func @transform_15(%arg0: i32) -> (i32, i32) {
    %c0_i32 = arith.constant 0 : i32
    %c0_i32_0 = arith.constant 0 : i32
    return %arg0, %c0_i32 : i32, i32
  }
  func.func @transform_16(%arg0: i32) -> (i32, i32) {
    %c0_i32 = arith.constant 0 : i32
    %c0_i32_0 = arith.constant 0 : i32
    return %arg0, %c0_i32 : i32, i32
  }
  func.func @transform_17(%arg0: i32) -> (i32, i32) {
    %c0_i32 = arith.constant 0 : i32
    %c0_i32_0 = arith.constant 0 : i32
    %c0_i32_1 = arith.constant 0 : i32
    return %c0_i32, %c0_i32_0 : i32, i32
  }
}

</mosaic_0001>

<sc_bundles>
// kernel: kernel.4.cloned.1.call-start
scs
__scs_entry_jumppad:
0x0: {  	(pc) =	sbr.rel $0x88, $3  }
0x1: {  	(tag) =	ssettag $0x0;
	lr =	simm.s32 $0x1  }
0x2: {  	[smem:$0x3F92] =	sst lr;
	_ =	strace $0xD0000000  }
0x3: {  	_ = 	snop  }
0x4: {  	_ = 	snop  }
0x5: {  	_ = 	snop  }
0x6: {  	_ = 	snop  }
0x7: {  	_ = 	snop  }
__scs_overlays_trampoline_lowered:
0x8: {  	[smem:$0x3FA1] =	sst s0  }
0x9: {  	[smem:$0x3FA2] =	sst s1  }
0xa: {  	[smem:$0x3FA3] =	sst s2  }
0xb: {  	[smem:$0x3FA4] =	sst s3  }
0xc: {  	[smem:$0x3FA5] =	sst s4  }
0xd: {  	[smem:$0x3FA6] =	sst s5  }
0xe: {  	[smem:$0x3FA7] =	sst s6  }
0xf: {  	[smem:$0x3FA8] =	sst s7  }
0x10: {  	[smem:$0x3FA9] =	sst s8  }
0x11: {  	[smem:$0x3FAA] =	sst s9;
	s0 =	simm.s32 @!p0 $0x0  }
0x12: {  	s1 =	sld [smem:$0x3F90];
	s0 =	simm.s32 @p0 $0x1  }
0x13: {  	[smem:$0x3FAB] =	sst s0;
	s0 =	simm.s32 @!p1 $0x0  }
0x14: {  	s2 =	sld [smem:$0x3F8F];
	s0 =	simm.s32 @p1 $0x1  }
0x15: {  	[smem:$0x3FAC] =	sst s0;
	s0 =	simm.s32 @!p2 $0x0  }
0x16: {  	s3 =	sld [smem:$0x3FDB];
	s0 =	simm.s32 @p2 $0x1  }
0x17: {  	s4 =	simm.s32 $0x1BF5;
	[smem:$0x3FAE] =	sst s0  }
0x18: {  	s0 =	sld [smem:$0x3F91];
	_ =	swait.ge [sflag:s4], $0x0  }
0x19: {  	s7 =	sld [smem:$0x3F92]  }
0x1a: {  	s8 =	sadd.s32 $0xFFFFE003, lr  }
0x1b: {  	s9 =	sadd.s32 $0xFFFFFEF7, lr;
	s5 =	simm.s32 $0xFFFFFFFF;
	p2 =	slt.u32 s8, $0xFFFFF086  }
0x1c: {  	p1 =	slt.u32 s9, $0xF7A;
	s5 =	simm.s32 @!p2 $0x0  }
0x1d: {  	s5 =	simm.s32 @p1 $0x1;
	p0 =	seq.s32 s7, s2  }
0x1e: {  	s7 =	smul.u32 @!p0 $0xF7A, s2;
	p2 =	seq.s32 @!p0 s5, $0x0  }
0x1f: {  	s9 =	smul.u32 $0xF7A, s1;
	s8 =	simm.s32 @!p0 $0x1BF5;
	p2 =	por !p2, p0  }
0x20: {  	[sflag:s8] =	ssyncset.s32 @!p0 $0xFFFFF086;
	s6 =	sadd.s32 @!p0 s3, s7;
	s7 =	simm.s32 @!p0 $0x108  }
0x21: {  	s3 =	sadd.s32 s3, s9;
	s6 =	sadd.s32 @!p0 $0x88, s6;
	s7 =	simm.s32 @p2 $0x1082  }
0x22: {  	[simem:s7], [sflag:s8] =	dma.local @!p0 [hbm:s6], $0xF7A  }
0x23: {  	s9 =	sor.u32 $0xD0000000, s2;
	s6 =	simm.s32 $0x108;
	_ =	swait.ge @!p0 [sflag:s8], $0x0  }
0x24: {  	s3 =	sadd.s32 $0x88, s3;
	s6 =	simm.s32 @!p1 $0x1082;
	[sflag:s4] =	ssyncset.s32 $0xFFFFF086  }
0x25: {  	[simem:s6], [sflag:s4] =	dma.local [hbm:s3], $0xF7A  }
0x26: {  	[smem:$0x3F92] =	sst s1;
	(tag) =	ssettag s2;
	_ =	strace s9  }
0x27: {  	s1 =	sld [smem:$0x3FA2]  }
0x28: {  	s2 =	sld [smem:$0x3FA3]  }
0x29: {  	s4 =	sld [smem:$0x3FA5]  }
0x2a: {  	p0 =	seq.s32 s5, $0x0;
	s5 =	sld [smem:$0x3FA6]  }
0x2b: {  	s6 =	sld [smem:$0x3FA7]  }
0x2c: {  	s7 =	sld [smem:$0x3FA8]  }
0x2d: {  	s3 =	simm.s32 $0x108;
	s8 =	sld [smem:$0x3FA9]  }
0x2e: {  	s3 =	simm.s32 @!p0 $0x1082;
	s9 =	sld [smem:$0x3FAA]  }
0x2f: {  	lr =	sadd.s32 s0, s3;
	s0 =	sld [smem:$0x3FA1]  }
0x30: {  	s3 =	sld [smem:$0x3FA4]  }
0x31: {  	[smem:$0x3FAD] =	sst s10  }
0x32: {  	s10 =	sld [smem:$0x3FAB];
	_ =	sdelay $0x3  }
0x33: {  	p0 =	seq.s32 s10, $0x1;
	s10 =	sld [smem:$0x3FAD];
	_ =	sdelay $0x3  }
0x34: {  	[smem:$0x3FAD] =	sst s10  }
0x35: {  	s10 =	sld [smem:$0x3FAC];
	_ =	sdelay $0x3  }
0x36: {  	p1 =	seq.s32 s10, $0x1;
	s10 =	sld [smem:$0x3FAD];
	_ =	sdelay $0x3  }
0x37: {  	[smem:$0x3FAD] =	sst s10  }
0x38: {  	s10 =	sld [smem:$0x3FAE]  }
0x39: {  	_ = 	snop;
	(pc) =	sbr.ind lr, $3  }
0x3a: {  	_ = 	snop  }
0x3b: {  	_ = 	snop  }
0x3c: {  	p2 =	seq.s32 s10, $0x1;
	s10 =	sld [smem:$0x3FAD]  }
0x3d: {  	_ =	shalt  }
0x3e: {  	_ =	shalt  }
0x3f: {  	_ =	shalt  }
0x40: {  	_ =	shalt  }
0x41: {  	_ =	shalt  }
0x42: {  	_ =	shalt  }
0x43: {  	_ =	shalt  }
0x44: {  	_ =	shalt  }
0x45: {  	_ =	shalt  }
0x46: {  	_ =	shalt  }
0x47: {  	_ =	shalt  }
0x48: {  	_ =	shalt  }
0x49: {  	_ =	shalt  }
0x4a: {  	_ =	shalt  }
0x4b: {  	_ =	shalt  }
0x4c: {  	_ =	shalt  }
0x4d: {  	_ =	shalt  }
0x4e: {  	_ =	shalt  }
0x4f: {  	_ =	shalt  }
0x50: {  	_ =	shalt  }
0x51: {  	_ =	shalt  }
0x52: {  	_ =	shalt  }
0x53: {  	_ =	shalt  }
0x54: {  	_ =	shalt  }
0x55: {  	_ =	shalt  }
0x56: {  	_ =	shalt  }
0x57: {  	_ =	shalt  }
0x58: {  	_ =	shalt  }
0x59: {  	_ =	shalt  }
0x5a: {  	_ =	shalt  }
0x5b: {  	_ =	shalt  }
0x5c: {  	_ =	shalt  }
0x5d: {  	_ =	shalt  }
0x5e: {  	_ =	shalt  }
0x5f: {  	_ =	shalt  }
0x60: {  	_ =	shalt  }
0x61: {  	_ =	shalt  }
0x62: {  	_ =	shalt  }
0x63: {  	_ =	shalt  }
0x64: {  	_ =	shalt  }
0x65: {  	_ =	shalt  }
0x66: {  	_ =	shalt  }
0x67: {  	_ =	shalt  }
0x68: {  	_ =	shalt  }
0x69: {  	_ =	shalt  }
0x6a: {  	_ =	shalt  }
0x6b: {  	_ =	shalt  }
0x6c: {  	_ =	shalt  }
0x6d: {  	_ =	shalt  }
0x6e: {  	_ =	shalt  }
0x6f: {  	_ =	shalt  }
0x70: {  	_ =	shalt  }
0x71: {  	_ =	shalt  }
0x72: {  	_ =	shalt  }
0x73: {  	_ =	shalt  }
0x74: {  	_ =	shalt  }
0x75: {  	_ =	shalt  }
0x76: {  	_ =	shalt  }
0x77: {  	_ =	shalt  }
0x78: {  	_ =	shalt  }
0x79: {  	_ =	shalt  }
0x7a: {  	_ =	shalt  }
0x7b: {  	_ =	shalt  }
0x7c: {  	_ =	shalt  }
0x7d: {  	_ =	shalt  }
0x7e: {  	_ =	shalt  }
0x7f: {  	_ =	shalt  }
0x80: {  	_ =	shalt  }
0x81: {  	_ =	shalt  }
0x82: {  	_ =	shalt  }
0x83: {  	_ =	shalt  }
0x84: {  	_ =	shalt  }
0x85: {  	_ =	shalt  }
0x86: {  	_ =	shalt  }
0x87: {  	_ =	shalt  }
.Lfunc_end0:
.L_simem_size_0:
called_computation_lowered:
.L_overlay_start_0:
0x88: {  	s2 =	sld [smem:$0x3FD9]  }
0x89: {  	s3 =	sld [smem:$0x3FFE];
	_ =	sdelay $0x1  }
0x8a: {  	s1 =	srdreg.scid  }
0x8b: {  	s0 =	sand.u32 $0x1, s1  }
0x8c: {  	s14 =	sshll.u32 s0, $0xA;
	s2 =	sadd.s32 s3, s2  }
0x8d: {  	s2 =	sadd.s32 s2, s14  }
0x8e: {  	[smem:$0x3FB9] =	sst s2  }
0x8f: {  	_ = 	snop  }
0x90: {  	s2 =	sld [smem:$0x3FD0];
	_ =	sdelay $0x2  }
0x91: {  	s4 =	simm.s32 $0xA;
	s5 =	simm.s32 $0x10;
	s15 =	sld [smem:$0x3FC7]  }
0x92: {  	[smem:s5], [sflag:s4] =	dma.local [hbm:s2], $0x1  }
0x93: {  	_ =	swait.eq [sflag:s4], $0x1  }
0x94: {  	[sflag:s4] =	ssyncset.done $0x0  }
0x95: {  	s16 =	sld [smem:$0x10];
	[sflag:s4] =	ssyncadd.s32 $0xFFFFFFFF  }
0x96: {  	s17 =	sld [smem:$0x11];
	(tm) =	ssettm $0x1  }
0x97: {  	s18 =	sld [smem:$0x3FFB];
	_ =	sdelay $0x3  }
0x98: {  	_ =	strace s18  }
0x99: {  	s5 =	sld [smem:$0x3FFC];
	_ =	sdelay $0x3  }
0x9a: {  	_ =	strace s5  }
0x9b: {  	s5 =	sld [smem:$0x3FFD];
	_ =	sdelay $0x3  }
0x9c: {  	_ =	strace s5  }
0x9d: {  	_ =	strace $0x8FFFFFFF  }
0x9e: {  	s19 =	sld [smem:$0x3FDB];
	_ =	sdelay $0x1  }
0x9f: {  	s6 =	simm.s32 $_scs_section_size  }
0xa0: {  	s7 =	simm.s32 $_size__tile_overlayer_lowered;
	s8 =	simm.s32 $_tile_overlayer_lowered  }
0xa1: {  	s22 =	simm.s32 $0x1BFF;
	s21 =	sshll.u32 s8, $0x1;
	s5 =	sadd.s32 s6, s19  }
0xa2: {  	s9 =	simm.s32 $0x0;
	s20 =	sshll.u32 s7, $0x1;
	s7 =	sadd.s32 s21, s5  }
0xa3: {  	[timem:s9], [sflag:s22] =	dma.local [hbm:s7], s20  }
0xa4: {  	_ =	swait.ge [sflag:s22], s20  }
0xa5: {  	s6 =	ssub.s32 $0x0, s20;
	[sflag:s22] =	ssyncset.done $0x0  }
0xa6: {  	[sflag:s22] =	ssyncadd.s32 s6;
	_ =	sdelay $0x1  }
0xa7: {  	s23 =	simm.s32 $0x1B8B  }
0xa8: {  	_ =	swait.ge [sflag:s23], $0x1  }
0xa9: {  	[sflag:s23] =	ssyncset.done $0x0  }
0xaa: {  	s25 =	simm.s32 $0x1B8E;
	s24 =	sld [smem:$0x3FFE];
	[sflag:s23] =	ssyncadd.s32 $0xFFFFFFFF  }
0xab: {  	s26 =	simm.s32 $execute0_lowered;
	[smem:$0x3FD2] =	sst s25  }
0xac: {  	s7 =	sshll.u32 s26, $0x1;
	_ =	strace $0x80000046;
	[dreg:$0x1] =	wrdreg $0xFFFFFFFF  }
0xad: {  	s28 =	simm.s32 $_size_execute0_lowered;
	s5 =	sadd.s32 s5, s7;
	[dreg:$0x0] =	wrdreg $0x0  }
0xae: {  	s7 =	sshll.u32 s28, $0x1;
	[dreg:$0x2] =	wrdreg s5  }
0xaf: {  	[dreg:$0x3] =	wrdreg s7  }
0xb0: {  	[dreg:$0x4] =	wrdreg $0xC0  }
0xb1: {  	_ =	task [dreg:s9], $0x5FFFF  }
0xb2: {  	[dreg:$0x1] =	wrdreg $0xFFFFFFFF  }
0xb3: {  	[dreg:$0x0] =	wrdreg $0x60  }
0xb4: {  	[dreg:$0x2] =	wrdreg s24  }
0xb5: {  	[dreg:$0x3] =	wrdreg s16  }
0xb6: {  	[dreg:$0x4] =	wrdreg s15  }
0xb7: {  	[dreg:$0x5] =	wrdreg s17  }
0xb8: {  	[dreg:$0x6] =	wrdreg $0x9  }
0xb9: {  	_ =	task.clear_ibuf [dreg:s9], $0x7FFFF;
	_ =	strace $0x90000046  }
0xba: {  	s29 =	simm.s32 $0x9;
	_ =	strace $0x80000048  }
0xbb: {  	_ =	swait.ge [sflag:s29], $0x1  }
0xbc: {  	[sflag:s29] =	ssyncadd.s32 $0xFFFFFFFF  }
0xbd: {  	_ =	strace $0x90000048  }
0xbe: {  	_ =	sfence  }
0xbf: {  	s30 =	sld [smem:$0x0];
	_ =	sdelay $0x2  }
0xc0: {  	s31 =	sshll.u32 s1, $0xD;
	s1 =	sshrl.u32 s1, $0x2  }
0xc1: {  	s3 =	sand.u32 $0x4000, s31;
	s1 =	sadd.s32 s1, s30  }
0xc2: {  	s0 =	sor.u32 s3, s0;
	s1 =	sshll.u32 s1, $0x11  }
0xc3: {  	s0 =	sor.u32 s1, s0  }
0xc4: {  	s0 =	sadd.s32 $0x8F2B, s0  }
0xc5: {  	[sflag:s0] =	ssyncadd.remote.s32 $0x1  }
0xc6: {  	_ =	sfence.sel $0xFFFF  }
0xc7: {  	[dreg:$0x0] =	wrdreg $0xFFFFFFFF;
	(pc) =	sbr.abs _section_cstart, $3  }
0xc8: {  	[dreg:$0x1] =	wrdreg $0xFFFFFFFF  }
0xc9: {  	_ =	task.clear_ibuf [dreg:s9], $0x2FFFF;
	_ =	strace $0x9FFFFFFF  }
0xca: {  	(tm) =	ssettm $0x7FFFFFFF  }
0xcb: {  	_ =	shalt  }
tec
execute0_lowered:
.L_overlay_start_1:
0x0: {  	(tag) =	ssettag $0x1  }
0x1: {  	s0 =	rddreg [dreg:$0x0]  }
0x2: {  	s1 =	rddreg [dreg:$0x1]  }
0x3: {  	s13 =	rddreg [dreg:$0x2];
	s2 =	srdreg.scid  }
0x4: {  	s4 =	stileid.u32;
	s20 =	rddreg [dreg:$0x3];
	s23 =	simm.s32 $0x8000  }
0x5: {  	s30 =	simm.s32 $0x10E00;
	s31 =	simm.s32 $0x10E80;
	s29 =	simm.s32 $0x11B00  }
0x6: {  	s3 =	sand.u32 $0x1, s2;
	s4 =	sshll.u32 s4, $0x1;
	s2 =	simm.s32 $0x0  }
0x7: {  	s5 =	sor.u32 s3, s4;
	[smem:$0x7FF] =	sst s2;
	s7 =	ssub.s32 $0x2, s3  }
0x8: {  	s3 =	sadd.s32 $0x23000, s0;
	s4 =	sshll.u32 s5, $0xC;
	_ =	strace $0x80000047  }
0x9: {  	s8 =	sshrl.u32 s7, $0x1;
	s22 =	sshll.u32 s5, $0x6;
	s6 =	sadd.s32 s4, s0  }
0xa: {  	s4 =	sadd.s32 $0x22E00, s0;
	s0 =	sadd.s32 $0x23200, s0;
	s21 =	ssub.s32 s7, s8  }
0xb: {  	s15 =	sor.u32 $0x800, s22;
	s7 =	sadd.s32 s1, s22;
	s16 =	sor.u32 $0x1000, s22  }
0xc: {  	s17 =	sor.u32 $0x1800, s22;
	s18 =	sor.u32 $0x2000, s22;
	s19 =	sor.u32 $0x2800, s22  }
0xd: {  	s13 =	sadd.s32 s13, s22;
	s20 =	sadd.s32 s20, s22;
	s5 =	sadd.s32 $0x42E00, s6  }
0xe: {  	s6 =	sadd.s32 $0x2E00, s6;
	s8 =	sadd.s32 s1, s15;
	s9 =	sadd.s32 s1, s16  }
0xf: {  	s10 =	sadd.s32 s1, s17;
	s11 =	sadd.s32 s1, s18;
	s12 =	sadd.s32 s1, s19  }
0x10: {  	s14 =	sadd.s32 s0, s22;
	s15 =	sadd.s32 s0, s15;
	s16 =	sadd.s32 s0, s16  }
0x11: {  	v0 =	vlaneseq.u32;
	s17 =	sadd.s32 s0, s17;
	s18 =	sadd.s32 s0, s18;
	s19 =	sadd.s32 s0, s19  }
0x12: {  	v1 =	vimm.s32 $0x0;
	v2 =	vimm.s32 $0x1;
	v0 =	vmul.u32 $0x40, v0;
	s21 =	smax.u32 s21, $0x1;
	s22 =	simm.s32 $0x1;
	s1 =	simm.s32 $0x0  }
.LBB2_1:
0x13: {  	[tilespmem:s2], [sflag:$0x1] =	stream.linear.gather [hbm4b:s5+s2], $0x8000, $0x38;
	[tilespmem:$0x11D00] =	vst v63  }
0x14: {  	_ =	swait.ge [sflag:s22], $0x8000  }
0x15: {  	[sflag:s22] =	ssyncset.done $0x0  }
0x16: {  	[sflag:s22] =	ssyncadd.s32 $0xFFFF8000  }
0x17: {  	[tilespmem:s23], [sflag:$0x1] =	stream.linear.gather [hbm4b:s6+s2], $0x8000, $0x38;
	[tilespmem:$0x11D00] =	vst v63  }
0x18: {  	_ =	swait.ge [sflag:s22], $0x8000  }
0x19: {  	[sflag:s22] =	ssyncset.done $0x0  }
0x1a: {  	s0 =	simm.s32 $0x10000;
	[sflag:s22] =	ssyncadd.s32 $0xFFFF8000  }
0x1b: {  	[tilespmem:s0], [sflag:$0x1] =	stream.linear.gather [hbm4b:s7+s2], $0x200, $0x38;
	[tilespmem:$0x11D00] =	vst v63  }
0x1c: {  	_ =	swait.ge [sflag:s22], $0x200  }
0x1d: {  	[sflag:s22] =	ssyncset.done $0x0  }
0x1e: {  	s24 =	simm.s32 $0x10200;
	[sflag:s22] =	ssyncadd.s32 $0xFFFFFE00  }
0x1f: {  	[tilespmem:s24], [sflag:$0x1] =	stream.linear.gather [hbm4b:s8+s2], $0x200, $0x38;
	[tilespmem:$0x11D00] =	vst v63  }
0x20: {  	_ =	swait.ge [sflag:s22], $0x200  }
0x21: {  	[sflag:s22] =	ssyncset.done $0x0  }
0x22: {  	s25 =	simm.s32 $0x10400;
	[sflag:s22] =	ssyncadd.s32 $0xFFFFFE00  }
0x23: {  	[tilespmem:s25], [sflag:$0x1] =	stream.linear.gather [hbm4b:s9+s2], $0x200, $0x38;
	[tilespmem:$0x11D00] =	vst v63  }
0x24: {  	_ =	swait.ge [sflag:s22], $0x200  }
0x25: {  	[sflag:s22] =	ssyncset.done $0x0  }
0x26: {  	s0 =	simm.s32 $0x10600;
	[sflag:s22] =	ssyncadd.s32 $0xFFFFFE00  }
0x27: {  	[tilespmem:s0], [sflag:$0x1] =	stream.linear.gather [hbm4b:s10+s2], $0x200, $0x38;
	[tilespmem:$0x11D00] =	vst v63  }
0x28: {  	_ =	swait.ge [sflag:s22], $0x200  }
0x29: {  	[sflag:s22] =	ssyncset.done $0x0  }
0x2a: {  	s24 =	simm.s32 $0x10800;
	[sflag:s22] =	ssyncadd.s32 $0xFFFFFE00  }
0x2b: {  	[tilespmem:s24], [sflag:$0x1] =	stream.linear.gather [hbm4b:s11+s2], $0x200, $0x38;
	[tilespmem:$0x11D00] =	vst v63  }
0x2c: {  	_ =	swait.ge [sflag:s22], $0x200  }
0x2d: {  	[sflag:s22] =	ssyncset.done $0x0  }
0x2e: {  	s26 =	simm.s32 $0x10A00;
	[sflag:s22] =	ssyncadd.s32 $0xFFFFFE00  }
0x2f: {  	[tilespmem:s26], [sflag:$0x1] =	stream.linear.gather [hbm4b:s12+s2], $0x200, $0x38;
	[tilespmem:$0x11D00] =	vst v63  }
0x30: {  	_ =	swait.ge [sflag:s22], $0x200  }
0x31: {  	[sflag:s22] =	ssyncset.done $0x0  }
0x32: {  	s24 =	simm.s32 $0x10C00;
	[sflag:s22] =	ssyncadd.s32 $0xFFFFFE00  }
0x33: {  	[tilespmem:s24], [sflag:$0x1] =	stream.linear.gather [hbm4b:s13+s2], $0x200, $0x38;
	[tilespmem:$0x11D00] =	vst v63  }
0x34: {  	_ =	swait.ge [sflag:s22], $0x200  }
0x35: {  	[sflag:s22] =	ssyncset.done $0x0  }
0x36: {  	[sflag:s22] =	ssyncadd.s32 $0xFFFFFE00  }
0x37: {  	[tilespmem:s30], [sflag:$0x1] =	stream.linear.gather [hbm4b:s3+s2], $0x80, $0x38;
	[tilespmem:$0x11D00] =	vst v63  }
0x38: {  	_ =	swait.ge [sflag:s22], $0x80  }
0x39: {  	[sflag:s22] =	ssyncset.done $0x0  }
0x3a: {  	[sflag:s22] =	ssyncadd.s32 $0xFFFFFF80  }
0x3b: {  	[tilespmem:s31], [sflag:$0x1] =	stream.linear.gather [hbm4b:s4+s2], $0x80, $0x38;
	[tilespmem:$0x11D00] =	vst v63  }
0x3c: {  	_ =	swait.ge [sflag:s22], $0x80  }
0x3d: {  	s28 =	simm.s32 $0x0;
	[sflag:s22] =	ssyncset.done $0x0  }
0x3e: {  	s25 =	simm.s32 $0x11500;
	s26 =	simm.s32 $0x11B00;
	[sflag:s22] =	ssyncadd.s32 $0xFFFFFF80  }
.LBB2_2:
0x3f: {  	v3 =	vmov s28  }
0x40: {  	v3 =	vshll.u32 v3, $0x6  }
0x41: {  	v3 =	vor.u32 v0, v3  }
0x42: {  	v8 =	vor.u32 $0x1F, v3;
	_ =	sdelay $0x3  }
0x43: {  	v5 =	vld [tilespmem:s0+$0xFFFFFA00]  }
0x44: {  	v4 =	vld.idx.msk [tilespmem:v8+s2+$0x0], $0xffff;
	_ =	sdelay $0x4  }
0x45: {  	v50 =	vand.u32 $0x7FC0, v3;
	vm0 =	vle.f32 v4, v5  }
0x46: {  	v10 =	vor.u32 $0xF, v50;
	v6 =	vsel vm0, $0x20, v1  }
0x47: {  	v7 =	vor.u32 v6, v10;
	_ =	sdelay $0x4  }
0x48: {  	v7 =	vld.idx.msk [tilespmem:v7+s2+$0x0], $0xffff;
	_ =	sdelay $0x4  }
0x49: {  	vm9 =	vle.f32 v7, v5  }
0x4a: {  	v7 =	vsel vm9, $0x10, v1  }
0x4b: {  	v11 =	vor.u32 $0x7, v50;
	v6 =	vor.u32 v6, v7  }
0x4c: {  	v7 =	vor.u32 v6, v11;
	_ =	sdelay $0x4  }
0x4d: {  	v7 =	vld.idx.msk [tilespmem:v7+s2+$0x0], $0xffff;
	_ =	sdelay $0x4  }
0x4e: {  	vm10 =	vle.f32 v7, v5  }
0x4f: {  	v7 =	vsel vm10, $0x8, v1  }
0x50: {  	v12 =	vor.u32 $0x3, v50;
	v6 =	vor.u32 v7, v6  }
0x51: {  	v7 =	vor.u32 v6, v12;
	_ =	sdelay $0x4  }
0x52: {  	v7 =	vld.idx.msk [tilespmem:v7+s2+$0x0], $0xffff;
	_ =	sdelay $0x4  }
0x53: {  	vm11 =	vle.f32 v7, v5  }
0x54: {  	v7 =	vsel vm11, $0x4, v1  }
0x55: {  	v14 =	vor.u32 $0x1, v50;
	v6 =	vor.u32 v7, v6  }
0x56: {  	v4 =	vor.u32 v6, v14;
	_ =	sdelay $0x4  }
0x57: {  	v4 =	vld.idx.msk [tilespmem:v4+s2+$0x0], $0xffff;
	_ =	sdelay $0x4  }
0x58: {  	vm12 =	vle.f32 v4, v5  }
0x59: {  	v4 =	vsel vm12, $0x2, v1  }
0x5a: {  	v6 =	vor.u32 v4, v6  }
0x5b: {  	v4 =	vor.u32 v3, v6;
	_ =	sdelay $0x1  }
0x5c: {  	v51 =	vor.u32 $0x3F, v3;
	_ =	sdelay $0x2  }
0x5d: {  	v9 =	vld.idx.msk [tilespmem:v4+s2+$0x0], $0xffff;
	_ =	sdelay $0x1  }
0x5e: {  	v13 =	vld.idx.msk [tilespmem:v51+s2+$0x0], $0xffff;
	_ =	sdelay $0x2  }
0x5f: {  	v4 =	vld [tilespmem:s24+$0x0];
	vm13 =	vle.f32 v9, v5  }
0x60: {  	v52 =	vsel vm13, $0x1, v1  }
0x61: {  	vm14 =	vle.f32 v13, v5;
	v53 =	vor.u32 v52, v6  }
0x62: {  	v54 =	vsel vm14, $0x0, v53  }
0x63: {  	v55 =	vadd.s32 v3, v54;
	_ =	sdelay $0x2  }
0x64: {  	v57 =	vld.idx.msk [tilespmem:v2+s31+$0x0], $0xffff  }
0x65: {  	v56 =	vld.idx.msk [tilespmem:v4+s30+$0x0], $0xffff  }
0x66: {  	v6 =	vld.idx.msk [tilespmem:v55+s23+$0x0], $0xffff;
	[tilespmem:s25+$0xFFFFFA00] =	vst v54  }
0x67: {  	v15 =	vld [tilespmem:s0+$0xFFFFFC00]  }
0x68: {  	v16 =	vld.idx.msk [tilespmem:v8+s2+$0x0], $0xffff;
	_ =	sdelay $0x4  }
0x69: {  	vm15 =	vle.f32 v16, v15  }
0x6a: {  	v16 =	vsel vm15, $0x20, v1  }
0x6b: {  	v17 =	vor.u32 v16, v10;
	_ =	sdelay $0x4  }
0x6c: {  	v17 =	vld.idx.msk [tilespmem:v17+s2+$0x0], $0xffff;
	_ =	sdelay $0x4  }
0x6d: {  	vm4 =	vle.f32 v17, v15  }
0x6e: {  	v17 =	vsel vm4, $0x10, v1  }
0x6f: {  	v16 =	vor.u32 v16, v17  }
0x70: {  	v17 =	vor.u32 v16, v11;
	_ =	sdelay $0x4  }
0x71: {  	v17 =	vld.idx.msk [tilespmem:v17+s2+$0x0], $0xffff;
	_ =	sdelay $0x4  }
0x72: {  	vm5 =	vle.f32 v17, v15  }
0x73: {  	v17 =	vsel vm5, $0x8, v1  }
0x74: {  	v16 =	vor.u32 v17, v16  }
0x75: {  	v17 =	vor.u32 v16, v12;
	_ =	sdelay $0x4  }
0x76: {  	v17 =	vld.idx.msk [tilespmem:v17+s2+$0x0], $0xffff;
	_ =	sdelay $0x4  }
0x77: {  	vm6 =	vle.f32 v17, v15  }
0x78: {  	v17 =	vsel vm6, $0x4, v1  }
0x79: {  	v16 =	vor.u32 v17, v16  }
0x7a: {  	v17 =	vor.u32 v16, v14;
	_ =	sdelay $0x4  }
0x7b: {  	v17 =	vld.idx.msk [tilespmem:v17+s2+$0x0], $0xffff;
	_ =	sdelay $0x4  }
0x7c: {  	vm7 =	vle.f32 v17, v15  }
0x7d: {  	v17 =	vsel vm7, $0x2, v1  }
0x7e: {  	v16 =	vor.u32 v17, v16  }
0x7f: {  	v17 =	vor.u32 v3, v16;
	_ =	sdelay $0x4  }
0x80: {  	v17 =	vld.idx.msk [tilespmem:v17+s2+$0x0], $0xffff;
	_ =	sdelay $0x4  }
0x81: {  	vm8 =	vle.f32 v17, v15  }
0x82: {  	v17 =	vsel vm8, $0x1, v1  }
0x83: {  	vm9 =	vle.f32 v13, v15;
	v58 =	vor.u32 v17, v16  }
0x84: {  	v17 =	vsel vm9, $0x0, v58  }
0x85: {  	vm0 =	vgt.s32 v4, $0x0;
	vm1 =	veq.s32 v54, v17  }
0x86: {  	v15 =	vadd.s32 v3, v17;
	vm1 =	vmand vm1, vm0  }
0x87: {  	v59 =	vsel vm1, $0x2, v2;
	_ =	sdelay $0x3  }
0x88: {  	v15 =	vld.idx.msk [tilespmem:v15+s23+$0x0], $0xffff  }
0x89: {  	v16 =	vld.idx.msk [tilespmem:v59+s31+$0x0], $0xffff;
	[tilespmem:s25+$0xFFFFFC00] =	vst v17  }
0x8a: {  	v18 =	vld [tilespmem:s0+$0xFFFFFE00]  }
0x8b: {  	v19 =	vld.idx.msk [tilespmem:v8+s2+$0x0], $0xffff;
	_ =	sdelay $0x4  }
0x8c: {  	vm10 =	vle.f32 v19, v18  }
0x8d: {  	v19 =	vsel vm10, $0x20, v1  }
0x8e: {  	v20 =	vor.u32 v19, v10;
	_ =	sdelay $0x4  }
0x8f: {  	v20 =	vld.idx.msk [tilespmem:v20+s2+$0x0], $0xffff;
	_ =	sdelay $0x4  }
0x90: {  	vm11 =	vle.f32 v20, v18  }
0x91: {  	v20 =	vsel vm11, $0x10, v1  }
0x92: {  	v19 =	vor.u32 v19, v20  }
0x93: {  	v20 =	vor.u32 v19, v11;
	_ =	sdelay $0x4  }
0x94: {  	v20 =	vld.idx.msk [tilespmem:v20+s2+$0x0], $0xffff;
	_ =	sdelay $0x4  }
0x95: {  	vm12 =	vle.f32 v20, v18  }
0x96: {  	v20 =	vsel vm12, $0x8, v1  }
0x97: {  	v19 =	vor.u32 v20, v19  }
0x98: {  	v20 =	vor.u32 v19, v12;
	_ =	sdelay $0x4  }
0x99: {  	v20 =	vld.idx.msk [tilespmem:v20+s2+$0x0], $0xffff;
	_ =	sdelay $0x4  }
0x9a: {  	vm13 =	vle.f32 v20, v18  }
0x9b: {  	v20 =	vsel vm13, $0x4, v1  }
0x9c: {  	v19 =	vor.u32 v20, v19  }
0x9d: {  	v20 =	vor.u32 v19, v14;
	_ =	sdelay $0x4  }
0x9e: {  	v20 =	vld.idx.msk [tilespmem:v20+s2+$0x0], $0xffff;
	_ =	sdelay $0x4  }
0x9f: {  	vm14 =	vle.f32 v20, v18  }
0xa0: {  	v20 =	vsel vm14, $0x2, v1  }
0xa1: {  	v19 =	vor.u32 v20, v19  }
0xa2: {  	v20 =	vor.u32 v3, v19;
	_ =	sdelay $0x4  }
0xa3: {  	v20 =	vld.idx.msk [tilespmem:v20+s2+$0x0], $0xffff;
	_ =	sdelay $0x4  }
0xa4: {  	vm15 =	vle.f32 v20, v18  }
0xa5: {  	v20 =	vsel vm15, $0x1, v1  }
0xa6: {  	vm4 =	vle.f32 v13, v18;
	v60 =	vor.u32 v20, v19  }
0xa7: {  	v20 =	vsel vm4, $0x0, v60  }
0xa8: {  	vm1 =	vgt.s32 v4, $0x1;
	vm2 =	veq.s32 v54, v20  }
0xa9: {  	v21 =	vsel vm1, $0x1, v1;
	vm3 =	veq.s32 v17, v20;
	vm2 =	vmand vm2, vm0  }
0xaa: {  	v22 =	vadd.s32 v3, v20;
	v62 =	vnsel vm3, $0x0, v21;
	v61 =	vsel vm2, $0x2, v2  }
0xab: {  	v19 =	vadd.s32 v62, v61;
	_ =	sdelay $0x3  }
0xac: {  	v63 =	vld.idx.msk [tilespmem:v22+s23+$0x0], $0xffff  }
0xad: {  	v19 =	vld.idx.msk [tilespmem:v19+s31+$0x0], $0xffff;
	[tilespmem:s25+$0xFFFFFE00] =	vst v20  }
0xae: {  	v33 =	vld [tilespmem:s0+$0x0]  }
0xaf: {  	v23 =	vld.idx.msk [tilespmem:v8+s2+$0x0], $0xffff;
	_ =	sdelay $0x4  }
0xb0: {  	vm5 =	vle.f32 v23, v33  }
0xb1: {  	v23 =	vsel vm5, $0x20, v1  }
0xb2: {  	v24 =	vor.u32 v23, v10;
	_ =	sdelay $0x4  }
0xb3: {  	v24 =	vld.idx.msk [tilespmem:v24+s2+$0x0], $0xffff;
	_ =	sdelay $0x4  }
0xb4: {  	vm6 =	vle.f32 v24, v33  }
0xb5: {  	v24 =	vsel vm6, $0x10, v1  }
0xb6: {  	v23 =	vor.u32 v23, v24  }
0xb7: {  	v24 =	vor.u32 v23, v11;
	_ =	sdelay $0x4  }
0xb8: {  	v24 =	vld.idx.msk [tilespmem:v24+s2+$0x0], $0xffff;
	_ =	sdelay $0x4  }
0xb9: {  	vm7 =	vle.f32 v24, v33  }
0xba: {  	v24 =	vsel vm7, $0x8, v1  }
0xbb: {  	v23 =	vor.u32 v24, v23  }
0xbc: {  	v24 =	vor.u32 v23, v12;
	_ =	sdelay $0x4  }
0xbd: {  	v24 =	vld.idx.msk [tilespmem:v24+s2+$0x0], $0xffff;
	_ =	sdelay $0x4  }
0xbe: {  	vm8 =	vle.f32 v24, v33  }
0xbf: {  	v24 =	vsel vm8, $0x4, v1  }
0xc0: {  	v23 =	vor.u32 v24, v23  }
0xc1: {  	v24 =	vor.u32 v23, v14;
	_ =	sdelay $0x4  }
0xc2: {  	v24 =	vld.idx.msk [tilespmem:v24+s2+$0x0], $0xffff;
	_ =	sdelay $0x4  }
0xc3: {  	vm9 =	vle.f32 v24, v33  }
0xc4: {  	v24 =	vsel vm9, $0x2, v1  }
0xc5: {  	v23 =	vor.u32 v24, v23  }
0xc6: {  	v24 =	vor.u32 v3, v23;
	_ =	sdelay $0x4  }
0xc7: {  	v24 =	vld.idx.msk [tilespmem:v24+s2+$0x0], $0xffff;
	_ =	sdelay $0x4  }
0xc8: {  	vm10 =	vle.f32 v24, v33  }
0xc9: {  	v24 =	vsel vm10, $0x1, v1  }
0xca: {  	vm2 =	vgt.s32 v4, $0x2;
	vm11 =	vle.f32 v13, v33;
	v34 =	vor.u32 v24, v23  }
0xcb: {  	v35 =	vsel vm2, $0x1, v1;
	v22 =	vsel vm11, $0x0, v34  }
0xcc: {  	vm3 =	veq.s32 v54, v22;
	vm4 =	veq.s32 v17, v22;
	vm5 =	veq.s32 v20, v22  }
0xcd: {  	vm3 =	vmand vm3, vm0;
	v36 =	vnsel vm4, $0x0, v21;
	v25 =	vnsel vm5, $0x0, v35  }
0xce: {  	v37 =	vadd.s32 v3, v22;
	v26 =	vsel vm3, $0x2, v2;
	v24 =	vadd.s32 v36, v25  }
0xcf: {  	v24 =	vadd.s32 v26, v24;
	_ =	sdelay $0x3  }
0xd0: {  	v25 =	vld.idx.msk [tilespmem:v37+s23+$0x0], $0xffff  }
0xd1: {  	v24 =	vld.idx.msk [tilespmem:v24+s31+$0x0], $0xffff;
	[tilespmem:s25+$0x0] =	vst v22  }
0xd2: {  	v38 =	vld [tilespmem:s0+$0x200]  }
0xd3: {  	v27 =	vld.idx.msk [tilespmem:v8+s2+$0x0], $0xffff;
	_ =	sdelay $0x4  }
0xd4: {  	vm12 =	vle.f32 v27, v38  }
0xd5: {  	v27 =	vsel vm12, $0x20, v1  }
0xd6: {  	v28 =	vor.u32 v27, v10;
	_ =	sdelay $0x4  }
0xd7: {  	v28 =	vld.idx.msk [tilespmem:v28+s2+$0x0], $0xffff;
	_ =	sdelay $0x4  }
0xd8: {  	vm13 =	vle.f32 v28, v38  }
0xd9: {  	v28 =	vsel vm13, $0x10, v1  }
0xda: {  	v27 =	vor.u32 v27, v28  }
0xdb: {  	v28 =	vor.u32 v27, v11;
	_ =	sdelay $0x4  }
0xdc: {  	v28 =	vld.idx.msk [tilespmem:v28+s2+$0x0], $0xffff;
	_ =	sdelay $0x4  }
0xdd: {  	vm14 =	vle.f32 v28, v38  }
0xde: {  	v28 =	vsel vm14, $0x8, v1  }
0xdf: {  	v27 =	vor.u32 v28, v27  }
0xe0: {  	v28 =	vor.u32 v27, v12;
	_ =	sdelay $0x4  }
0xe1: {  	v28 =	vld.idx.msk [tilespmem:v28+s2+$0x0], $0xffff;
	_ =	sdelay $0x4  }
0xe2: {  	vm15 =	vle.f32 v28, v38  }
0xe3: {  	v28 =	vsel vm15, $0x4, v1  }
0xe4: {  	v27 =	vor.u32 v28, v27  }
0xe5: {  	v28 =	vor.u32 v27, v14;
	_ =	sdelay $0x4  }
0xe6: {  	v28 =	vld.idx.msk [tilespmem:v28+s2+$0x0], $0xffff;
	_ =	sdelay $0x4  }
0xe7: {  	vm6 =	vle.f32 v28, v38  }
0xe8: {  	v28 =	vsel vm6, $0x2, v1  }
0xe9: {  	v27 =	vor.u32 v28, v27  }
0xea: {  	v28 =	vor.u32 v3, v27;
	_ =	sdelay $0x4  }
0xeb: {  	v28 =	vld.idx.msk [tilespmem:v28+s2+$0x0], $0xffff;
	_ =	sdelay $0x4  }
0xec: {  	vm7 =	vle.f32 v28, v38  }
0xed: {  	v28 =	vsel vm7, $0x1, v1  }
0xee: {  	vm3 =	vgt.s32 v4, $0x3;
	vm8 =	vle.f32 v13, v38;
	v39 =	vor.u32 v28, v27  }
0xef: {  	v40 =	vsel vm3, $0x1, v1;
	v26 =	vsel vm8, $0x0, v39  }
0xf0: {  	vm4 =	veq.s32 v54, v26;
	vm9 =	veq.s32 v17, v26;
	vm6 =	veq.s32 v20, v26  }
0xf1: {  	vm10 =	veq.s32 v22, v26;
	v41 =	vnsel vm9, $0x0, v21;
	v29 =	vnsel vm6, $0x0, v35  }
0xf2: {  	vm4 =	vmand vm4, vm0;
	v42 =	vnsel vm10, $0x0, v40;
	v28 =	vadd.s32 v41, v29  }
0xf3: {  	v43 =	vadd.s32 v3, v26;
	v30 =	vsel vm4, $0x2, v2;
	v28 =	vadd.s32 v42, v28  }
0xf4: {  	v28 =	vadd.s32 v30, v28;
	_ =	sdelay $0x3  }
0xf5: {  	v29 =	vld.idx.msk [tilespmem:v43+s23+$0x0], $0xffff  }
0xf6: {  	v28 =	vld.idx.msk [tilespmem:v28+s31+$0x0], $0xffff;
	[tilespmem:s25+$0x200] =	vst v26  }
0xf7: {  	v44 =	vld [tilespmem:s0+$0x400]  }
0xf8: {  	v8 =	vld.idx.msk [tilespmem:v8+s2+$0x0], $0xffff;
	_ =	sdelay $0x4  }
0xf9: {  	vm11 =	vle.f32 v8, v44  }
0xfa: {  	v8 =	vsel vm11, $0x20, v1  }
0xfb: {  	v10 =	vor.u32 v8, v10;
	_ =	sdelay $0x4  }
0xfc: {  	v10 =	vld.idx.msk [tilespmem:v10+s2+$0x0], $0xffff;
	_ =	sdelay $0x4  }
0xfd: {  	vm12 =	vle.f32 v10, v44  }
0xfe: {  	v10 =	vsel vm12, $0x10, v1  }
0xff: {  	v8 =	vor.u32 v8, v10  }
0x100: {  	v10 =	vor.u32 v8, v11;
	_ =	sdelay $0x4  }
0x101: {  	v10 =	vld.idx.msk [tilespmem:v10+s2+$0x0], $0xffff;
	_ =	sdelay $0x4  }
0x102: {  	vm13 =	vle.f32 v10, v44  }
0x103: {  	v10 =	vsel vm13, $0x8, v1  }
0x104: {  	v8 =	vor.u32 v10, v8  }
0x105: {  	v10 =	vor.u32 v8, v12;
	_ =	sdelay $0x4  }
0x106: {  	v10 =	vld.idx.msk [tilespmem:v10+s2+$0x0], $0xffff;
	_ =	sdelay $0x4  }
0x107: {  	vm14 =	vle.f32 v10, v44  }
0x108: {  	v10 =	vsel vm14, $0x4, v1  }
0x109: {  	v8 =	vor.u32 v10, v8  }
0x10a: {  	v10 =	vor.u32 v8, v14;
	_ =	sdelay $0x4  }
0x10b: {  	v10 =	vld.idx.msk [tilespmem:v10+s2+$0x0], $0xffff;
	_ =	sdelay $0x4  }
0x10c: {  	vm15 =	vle.f32 v10, v44  }
0x10d: {  	v10 =	vsel vm15, $0x2, v1  }
0x10e: {  	v8 =	vor.u32 v10, v8  }
0x10f: {  	v10 =	vor.u32 v3, v8;
	_ =	sdelay $0x4  }
0x110: {  	v10 =	vld.idx.msk [tilespmem:v10+s2+$0x0], $0xffff;
	_ =	sdelay $0x4  }
0x111: {  	vm8 =	vle.f32 v10, v44  }
0x112: {  	v10 =	vsel vm8, $0x1, v1  }
0x113: {  	vm9 =	vle.f32 v13, v44;
	v8 =	vor.u32 v10, v8  }
0x114: {  	v8 =	vsel vm9, $0x0, v8  }
0x115: {  	vm12 =	vgt.s32 v4, $0x4;
	vm4 =	veq.s32 v17, v8  }
0x116: {  	vm10 =	veq.s32 v20, v8;
	vm11 =	veq.s32 v22, v8;
	vm13 =	veq.s32 v54, v8  }
0x117: {  	vm14 =	veq.s32 v26, v8;
	v45 =	vnsel vm4, $0x0, v21;
	v46 =	vnsel vm10, $0x0, v35  }
0x118: {  	v47 =	vnsel vm11, $0x0, v40;
	vm5 =	vmand vm13, vm0;
	v48 =	vadd.s32 v45, v46  }
0x119: {  	vm6 =	vmand vm14, vm12;
	v49 =	vsel vm5, $0x2, v2;
	v9 =	vadd.s32 v47, v48  }
0x11a: {  	v3 =	vadd.s32 v3, v8;
	v50 =	vsel vm6, $0x1, v1;
	v51 =	vadd.s32 v49, v9  }
0x11b: {  	v6 =	vsub.f32 v6, v57;
	v7 =	vadd.s32 v50, v51  }
0x11c: {  	v52 =	vsel vm0, $0x3F800000, v1  }
0x11d: {  	v6 =	vmul.f32 v52, v6;
	v53 =	vsub.f32 v15, v16  }
0x11e: {  	v54 =	vsel vm1, $0x3F800000, v1  }
0x11f: {  	v5 =	vadd.f32 v6, v56;
	v56 =	vsub.f32 v63, v19;
	v55 =	vmul.f32 v54, v53;
	v3 =	vld.idx.msk [tilespmem:v3+s23+$0x0], $0xffff  }
0x120: {  	v57 =	vsel vm2, $0x3F800000, v1;
	v7 =	vld.idx.msk [tilespmem:v7+s31+$0x0], $0xffff  }
0x121: {  	v58 =	vmul.f32 v57, v56;
	v59 =	vsub.f32 v25, v24;
	v5 =	vadd.f32 v55, v5  }
0x122: {  	v60 =	vsel vm3, $0x3F800000, v1;
	v62 =	vsub.f32 v29, v28  }
0x123: {  	v61 =	vmul.f32 v60, v59;
	v63 =	vsel vm12, $0x3F800000, v1;
	v5 =	vadd.f32 v58, v5  }
0x124: {  	v6 =	vmul.f32 v63, v62  }
0x125: {  	vm15 =	vgt.s32 v4, $0x5;
	v5 =	vadd.f32 v61, v5;
	v3 =	vsub.f32 v3, v7  }
0x126: {  	p0 =	sne.s32 s28, $0x1F0;
	v4 =	vsel vm15, $0x3F800000, v1  }
.Ltmp0:
0x127: {  	v5 =	vadd.f32 v6, v5;
	v3 =	vmul.f32 v4, v3;
	(pc) =	sbr.rel @p0 .LBB2_2-.Ltmp0, $4  }
0x128: {  	_ = 	snop  }
0x129: {  	v3 =	vadd.f32 v3, v5  }
0x12a: {  	s28 =	sadd.s32 $0x10, s28;
	s24 =	sadd.s32 $0x10, s24;
	[tilespmem:s25+$0x400] =	vst v8  }
0x12b: {  	s0 =	sadd.s32 $0x10, s0;
	s25 =	sadd.s32 $0x10, s25;
	[tilespmem:s26+$0x0] =	vst v3;
	s26 =	sadd.s32 $0x10, s26  }
0x12c: {  	s0 =	simm.s32 $0x10F00  }
0x12d: {  	[hbm4b:s14+s2] =	stream.linear.scatter [tilespmem:s0], [sflag:$0x1], $0x200, $0x38;
	[tilespmem:$0x11D00] =	vst v63  }
0x12e: {  	_ =	swait.ge [sflag:s22], $0x200  }
0x12f: {  	[sflag:s22] =	ssyncset.done $0x0  }
0x130: {  	s28 =	simm.s32 $0x11100;
	[sflag:s22] =	ssyncadd.s32 $0xFFFFFE00  }
0x131: {  	[hbm4b:s15+s2] =	stream.linear.scatter [tilespmem:s28], [sflag:$0x1], $0x200, $0x38;
	[tilespmem:$0x11D00] =	vst v63  }
0x132: {  	_ =	swait.ge [sflag:s22], $0x200  }
0x133: {  	[sflag:s22] =	ssyncset.done $0x0  }
0x134: {  	s24 =	simm.s32 $0x11300;
	[sflag:s22] =	ssyncadd.s32 $0xFFFFFE00  }
0x135: {  	[hbm4b:s16+s2] =	stream.linear.scatter [tilespmem:s24], [sflag:$0x1], $0x200, $0x38;
	[tilespmem:$0x11D00] =	vst v63  }
0x136: {  	_ =	swait.ge [sflag:s22], $0x200  }
0x137: {  	[sflag:s22] =	ssyncset.done $0x0  }
0x138: {  	s25 =	simm.s32 $0x11500;
	[sflag:s22] =	ssyncadd.s32 $0xFFFFFE00  }
0x139: {  	[hbm4b:s17+s2] =	stream.linear.scatter [tilespmem:s25], [sflag:$0x1], $0x200, $0x38;
	[tilespmem:$0x11D00] =	vst v63  }
0x13a: {  	_ =	swait.ge [sflag:s22], $0x200  }
0x13b: {  	[sflag:s22] =	ssyncset.done $0x0  }
0x13c: {  	s26 =	simm.s32 $0x11700;
	[sflag:s22] =	ssyncadd.s32 $0xFFFFFE00  }
0x13d: {  	[hbm4b:s18+s2] =	stream.linear.scatter [tilespmem:s26], [sflag:$0x1], $0x200, $0x38;
	[tilespmem:$0x11D00] =	vst v63  }
0x13e: {  	_ =	swait.ge [sflag:s22], $0x200  }
0x13f: {  	[sflag:s22] =	ssyncset.done $0x0  }
0x140: {  	s28 =	simm.s32 $0x11900;
	[sflag:s22] =	ssyncadd.s32 $0xFFFFFE00  }
0x141: {  	[hbm4b:s19+s2] =	stream.linear.scatter [tilespmem:s28], [sflag:$0x1], $0x200, $0x38;
	[tilespmem:$0x11D00] =	vst v63  }
0x142: {  	s1 =	sadd.s32 $0x1, s1;
	_ =	swait.ge [sflag:s22], $0x200  }
0x143: {  	p0 =	sne.s32 s1, s21;
	[sflag:s22] =	ssyncset.done $0x0  }
.Ltmp1:
0x144: {  	[sflag:s22] =	ssyncadd.s32 $0xFFFFFE00;
	(pc) =	sbr.rel @p0 .LBB2_1-.Ltmp1, $4  }
0x145: {  	[hbm4b:s20+s2] =	stream.linear.scatter [tilespmem:s29], [sflag:$0x1], $0x200, $0x38;
	[tilespmem:$0x11D00] =	vst v63  }
0x146: {  	_ =	swait.ge [sflag:s22], $0x200  }
0x147: {  	[sflag:s22] =	ssyncset.done $0x0  }
0x148: {  	[sflag:s22] =	ssyncadd.s32 $0xFFFFFE00  }
0x149: {  	_ =	sfence.sel $0x180000  }
0x14a: {  	[bflag:$0x0] =	sbarrier.arrive $0xFFFF  }
0x14b: {  	_ =	strace $0x90000047  }
0x14c: {  	s0 =	stileid.u32;
	[bflag:$0x2] =	sbarrier.arrive $0xFFFF  }
0x14d: {  	p0 =	sne.s32 s0, $0x0;
	s0 =	rddreg [dreg:$0x4]  }
0x14e: {  	s0 =	sadd.s32 @!p0 $0x100000, s0  }
0x14f: {  	[sflag:s0] =	ssyncadd.tile.s32 @!p0 $0x1;
	_ =	shalt  }
.Lfunc_end2:
_tile_overlayer_lowered:
.L_overlay_start_2:
0x150: {  	(tag) =	ssettag $0x2  }
0x151: {  	s0 =	rddreg [dreg:$0x0];
	s2 =	stileid.u32  }
0x152: {  	s1 =	rddreg [dreg:$0x1];
	p0 =	sne.s32 s2, $0x0  }
0x153: {  	s3 =	rddreg [dreg:$0x2];
	[bflag:$0x3] =	sbarrier.arrive $0xFFFF;
	s2 =	simm.s32 @!p0 $0x1C01  }
0x154: {  	[timem:s3], [sflag:s2] =	dma.local @!p0 [hbm:s0], s1  }
0x155: {  	s0 =	simm.s32 @!p0 $0x1  }
0x156: {  	_ =	swait.ge @!p0 [sflag:s0], s1  }
0x157: {  	s1 =	ssub.s32 @!p0 $0x0, s1;
	[sflag:s0] =	ssyncset.done @!p0 $0x0  }
0x158: {  	[sflag:s0] =	ssyncadd.s32 @!p0 s1  }
0x159: {  	[bflag:$0x3] =	sbarrier.arrive $0xFFFF  }
0x15a: {  	_ =	shalt  }

</sc_bundles>
